<compile_context>
chip_gen: v7x
topology: tpu7x:2x2x1
jax: 0.10.2.dev20260603
libtpu: 0.0.44.dev20260713+nightly
codegen_flags: <defaults>
</compile_context>

<pallas_src>
import functools

import jax
import jax.numpy as jnp
from jax import lax
from jax.experimental import pallas as pl
from jax.experimental.pallas import tpu as pltpu
from jax.experimental.pallas import tpu_sc as plsc

NC = 2
NS = 16
LANES = 16
NBUF = 4


def _make_emb(B, L, V, D):
  NW = NC * NS
  BPW = B // NW
  DT = D // 8
  BPWP = BPW + 9
  mesh = plsc.VectorSubcoreMesh(
      core_axis_name="c", subcore_axis_name="s",
      num_cores=NC, num_subcores=NS)

  scratch = [
      pltpu.VMEM((L, BPW), jnp.int32),
      pltpu.VMEM((L, D), jnp.float32),
      pltpu.VMEM((NBUF, BPW, D), jnp.float32),
  ] + [pltpu.VMEM((DT, 8, BPWP), jnp.float32)] * NBUF \
    + [pltpu.SemaphoreType.DMA] * (2 * NBUF)

  @functools.partial(
      pl.kernel, mesh=mesh,
      out_type=jax.ShapeDtypeStruct((L, DT, NW, 8, BPW), jnp.float32),
      scratch_types=scratch,
      compiler_params=pltpu.CompilerParams(use_tc_tiling_on_sc=False,
                                           needs_layout_passes=False))
  def emb(ids_hbm, word_hbm, pos_hbm, out_hbm, idx_v, pos_v, rows_v, *rest):
    obuf = rest[:NBUF]
    gsem = rest[NBUF:2 * NBUF]
    wsem = rest[2 * NBUF:]
    wid = lax.axis_index("s") * NC + lax.axis_index("c")
    b0 = wid * BPW

    pltpu.sync_copy(ids_hbm.at[:, pl.ds(b0, BPW)], idx_v)
    pltpu.sync_copy(pos_hbm, pos_v)

    lane = lax.iota(jnp.int32, LANES)
    idt, idr = [], []
    for dg in range(D // LANES):
      dvec = jnp.full((LANES,), dg * LANES, jnp.int32) + lane
      idt.append(dvec // 8)
      idr.append(dvec % 8)

    def start_gather(l, b):
      pltpu.async_copy(word_hbm.at[idx_v.at[l]], rows_v.at[b], gsem[b])

    def wait_gather(b):
      pltpu.make_async_copy(
          word_hbm.at[pl.ds(0, BPW)], rows_v.at[b], gsem[b]).wait()

    def start_write(l, b):
      pltpu.async_copy(obuf[b].at[:, :, pl.ds(0, BPW)],
                       out_hbm.at[l, :, wid], wsem[b])

    def wait_write(l, b):
      pltpu.make_async_copy(obuf[b].at[:, :, pl.ds(0, BPW)],
                            out_hbm.at[l, :, wid], wsem[b]).wait()

    for b in range(NBUF - 1):
      start_gather(b, b)

    def outer(i, _):
      l0 = i * NBUF
      for b in range(NBUF):
        l = l0 + b
        wait_gather(b)
        pv = [pos_v[l, pl.ds(LANES * j, LANES)] for j in range(D // LANES)]

        @plsc.parallel_loop(0, BPW, unroll=4)
        def radd(r):
          rsp = jnp.full((LANES,), r, jnp.int32)
          for j in range(D // LANES):
            x = rows_v[b, r, pl.ds(LANES * j, LANES)]
            plsc.store_scatter(obuf[b], [idt[j], idr[j], rsp], x + pv[j])
        start_write(l, b)
        ln = l + NBUF - 1
        bn = (b + NBUF - 1) % NBUF

        @pl.when(ln < L)
        def _():
          @pl.when(ln >= NBUF)
          def _():
            wait_write(ln - NBUF, bn)
          start_gather(ln, bn)
      return 0

    lax.fori_loop(0, L // NBUF, outer, 0)

    for b in range(NBUF):
      wait_write(L - NBUF + b, b)

  return emb


def kernel(input_ids, word_table, pos_table):
  B, L = input_ids.shape
  V, D = word_table.shape
  NW = NC * NS
  BPW = B // NW
  emb = _make_emb(B, L, V, D)
  out5 = emb(input_ids.astype(jnp.int32).T, word_table, pos_table[:L])
  return out5.transpose(2, 4, 0, 1, 3).reshape(B, L, D)

# --- scband reference (transcript-rebuilt; emitter-appended) ---
"""Pipeline reference for scband-embed-78580721647620 (READ-ONLY COPY).

The authoritative reference and input builder live on the scoring server;
editing this copy changes nothing except your own understanding.
"""

import jax, jax.numpy as jnp
import numpy as np

VOCAB = 1000000
EMBED = 64
MAX_POS = 512
B = 4096
L = 200

def setup_inputs(seed: int = 0) -> dict:
    key = jax.random.key(seed)
    k1, k2, k3 = jax.random.split(key, 3)
    input_ids = jax.random.randint(k1, (B, L), 0, VOCAB, dtype=jnp.int64 if jax.config.jax_enable_x64 else jnp.int32)
    word_table = jax.random.normal(k2, (VOCAB, EMBED), dtype=jnp.float32) * 0.02
    pos_table = jax.random.normal(k3, (MAX_POS, EMBED), dtype=jnp.float32) * 0.02
    return {"input_ids": input_ids, "word_table": word_table, "pos_table": pos_table}

def reference(input_ids, word_table, pos_table):
    seq_length = input_ids.shape[-1]
    position_ids = jnp.arange(seq_length)[None, :]
    word_embeddings = jnp.take(word_table, input_ids, axis=0)
    position_embeddings = jnp.take(pos_table, position_ids, axis=0)
    input_embeddings = word_embeddings + position_embeddings
    # layer_norm_embedddings=False, use_embeddings_project=False, dropout p=0.0 (identity)
    return input_embeddings

if __name__ == "__main__":
    import jax
    _d = setup_inputs()
    print(jax.jit(kernel)(*tuple(_d.values())))

</pallas_src>

<mosaic_0001>
#map = affine_map<(d0, d1) -> (0, 0)>
#map1 = affine_map<(d0, d1) -> (0, 0, 0, 0, 0)>
module attributes {stable_mosaic.version = 14 : i64} {
  func.func @emb(%arg0: i32, %arg1: i32, %arg2: memref<200x4096xi32, #tpu.memory_space<hbm>>, %arg3: memref<1000000x64xf32, #tpu.memory_space<hbm>>, %arg4: memref<200x64xf32, #tpu.memory_space<hbm>>, %arg5: memref<200x8x32x8x128xf32, #tpu.memory_space<hbm>>, %arg6: memref<200x128xi32, #tpu.memory_space<vmem>>, %arg7: memref<200x64xf32, #tpu.memory_space<vmem>>, %arg8: memref<4x128x64xf32, #tpu.memory_space<vmem>>, %arg9: memref<8x8x137xf32, #tpu.memory_space<vmem>>, %arg10: memref<8x8x137xf32, #tpu.memory_space<vmem>>, %arg11: memref<8x8x137xf32, #tpu.memory_space<vmem>>, %arg12: memref<8x8x137xf32, #tpu.memory_space<vmem>>, %arg13: memref<!tpu.dma_semaphore, #tpu.memory_space<semaphore_mem>>, %arg14: memref<!tpu.dma_semaphore, #tpu.memory_space<semaphore_mem>>, %arg15: memref<!tpu.dma_semaphore, #tpu.memory_space<semaphore_mem>>, %arg16: memref<!tpu.dma_semaphore, #tpu.memory_space<semaphore_mem>>, %arg17: memref<!tpu.dma_semaphore, #tpu.memory_space<semaphore_mem>>, %arg18: memref<!tpu.dma_semaphore, #tpu.memory_space<semaphore_mem>>, %arg19: memref<!tpu.dma_semaphore, #tpu.memory_space<semaphore_mem>>, %arg20: memref<!tpu.dma_semaphore, #tpu.memory_space<semaphore_mem>>) attributes {dimension_semantics = [#tpu.dimension_semantics<core_parallel>, #tpu.dimension_semantics<subcore_parallel>], iteration_bounds = array<i64: 2, 16>, scalar_prefetch = 0 : i64, scratch_operands = 15 : i64, tpu.core_type = #tpu.core_type<sc_vector_subcore>, window_params = [{transform_indices = #map}, {transform_indices = #map}, {transform_indices = #map}, {transform_indices = #map1}]} {
    %mul3A = arith.constant 2 : i32
    %mul3A_0 = arith.muli %arg1, %mul3A : i32
    %add3A = arith.addi %mul3A_0, %arg0 : i32
    %mul3A_1 = arith.constant 128 : i32
    %mul3A_2 = arith.muli %add3A, %mul3A_1 : i32
    "tpu.region"() ({
      %run_scoped3A = tpu.sem_alloc : memref<!tpu.dma_semaphore, #tpu.memory_space<semaphore_mem>>
      %dma_start3A_332 = arith.constant 0 : i32
      %dma_start3A_333 = tpu.memref_slice %arg2[%dma_start3A_332, %mul3A_2] : memref<200x4096xi32, #tpu.memory_space<hbm>> -> memref<200x128xi32, #tpu.memory_space<hbm>>
      %dma_start3A_334 = arith.constant 0 : i32
      %dma_start3A_335 = tpu.memref_slice %arg2[%dma_start3A_334, %mul3A_2] : memref<200x4096xi32, #tpu.memory_space<hbm>> -> memref<200x128xi32, #tpu.memory_space<hbm>>
      tpu.enqueue_dma source(%dma_start3A_335 : memref<200x128xi32, #tpu.memory_space<hbm>>) target(%arg6 : memref<200x128xi32, #tpu.memory_space<vmem>>) target_semaphore(%run_scoped3A : memref<!tpu.dma_semaphore, #tpu.memory_space<semaphore_mem>>)
      %dma_wait3A_336 = arith.constant 0 : i32
      %dma_wait3A_337 = tpu.memref_slice %arg2[%dma_wait3A_336, %mul3A_2] : memref<200x4096xi32, #tpu.memory_space<hbm>> -> memref<200x128xi32, #tpu.memory_space<hbm>>
      %dma_wait3A_338 = arith.constant 0 : i32
      %dma_wait3A_339 = tpu.memref_slice %arg2[%dma_wait3A_338, %mul3A_2] : memref<200x4096xi32, #tpu.memory_space<hbm>> -> memref<200x128xi32, #tpu.memory_space<hbm>>
      tpu.wait_dma2 semaphore(%run_scoped3A : memref<!tpu.dma_semaphore, #tpu.memory_space<semaphore_mem>>) src(%dma_wait3A_339 : memref<200x128xi32, #tpu.memory_space<hbm>>) dst(%arg6 : memref<200x128xi32, #tpu.memory_space<vmem>>)
      tpu.yield
    }) : () -> ()
    "tpu.region"() ({
      %run_scoped3A = tpu.sem_alloc : memref<!tpu.dma_semaphore, #tpu.memory_space<semaphore_mem>>
      tpu.enqueue_dma source(%arg4 : memref<200x64xf32, #tpu.memory_space<hbm>>) target(%arg7 : memref<200x64xf32, #tpu.memory_space<vmem>>) target_semaphore(%run_scoped3A : memref<!tpu.dma_semaphore, #tpu.memory_space<semaphore_mem>>)
      tpu.wait_dma2 semaphore(%run_scoped3A : memref<!tpu.dma_semaphore, #tpu.memory_space<semaphore_mem>>) src(%arg4 : memref<200x64xf32, #tpu.memory_space<hbm>>) dst(%arg7 : memref<200x64xf32, #tpu.memory_space<vmem>>)
      tpu.yield
    }) : () -> ()
    %iota3A = tpu.iota {dimensions = array<i32: 0>} : vector<16xi32>
    %broadcast_in_dim3A = arith.constant 0 : i32
    %broadcast_in_dim3A_3 = vector.broadcast %broadcast_in_dim3A : i32 to vector<16xi32>
    %add3A_4 = arith.addi %broadcast_in_dim3A_3, %iota3A : vector<16xi32>
    %jit3A = arith.constant 8 : i32
    %div3A = vector.broadcast %jit3A : i32 to vector<16xi32>
    %div3A_5 = arith.divsi %add3A_4, %div3A : vector<16xi32>
    %sign3A = arith.constant 0 : i32
    %sign3A_6 = vector.broadcast %sign3A : i32 to vector<16xi32>
    %sign3A_7 = arith.cmpi sgt, %add3A_4, %sign3A_6 : vector<16xi32>
    %sign3A_8 = arith.extui %sign3A_7 : vector<16xi1> to vector<16xi32>
    %sign3A_9 = arith.constant 0 : i32
    %sign3A_10 = vector.broadcast %sign3A_9 : i32 to vector<16xi32>
    %sign3A_11 = arith.cmpi slt, %add3A_4, %sign3A_10 : vector<16xi32>
    %sign3A_12 = arith.extui %sign3A_11 : vector<16xi1> to vector<16xi32>
    %sign3A_13 = arith.subi %sign3A_8, %sign3A_12 : vector<16xi32>
    %sign3A_14 = arith.constant 0 : i32
    %sign3A_15 = arith.cmpi sgt, %jit3A, %sign3A_14 : i32
    %sign3A_16 = arith.extui %sign3A_15 : i1 to i32
    %sign3A_17 = arith.constant 0 : i32
    %sign3A_18 = arith.cmpi slt, %jit3A, %sign3A_17 : i32
    %sign3A_19 = arith.extui %sign3A_18 : i1 to i32
    %sign3A_20 = arith.subi %sign3A_16, %sign3A_19 : i32
    %ne3A = vector.broadcast %sign3A_20 : i32 to vector<16xi32>
    %ne3A_21 = arith.cmpi ne, %sign3A_13, %ne3A : vector<16xi32>
    %rem3A = vector.broadcast %jit3A : i32 to vector<16xi32>
    %rem3A_22 = arith.remsi %add3A_4, %rem3A : vector<16xi32>
    %ne3A_23 = arith.constant 0 : i32
    %ne3A_24 = vector.broadcast %ne3A_23 : i32 to vector<16xi32>
    %ne3A_25 = arith.cmpi ne, %rem3A_22, %ne3A_24 : vector<16xi32>
    %and3A = arith.andi %ne3A_21, %ne3A_25 : vector<16xi1>
    %sub3A = arith.constant 1 : i32
    %sub3A_26 = vector.broadcast %sub3A : i32 to vector<16xi32>
    %sub3A_27 = arith.subi %div3A_5, %sub3A_26 : vector<16xi32>
    %select_n3A = arith.select %and3A, %sub3A_27, %div3A_5 : vector<16xi1>, vector<16xi32>
    %jit3A_28 = arith.constant 8 : i32
    %eq3A = arith.constant 0 : i32
    %eq3A_29 = arith.cmpi eq, %jit3A_28, %eq3A : i32
    %jit3A_30 = arith.constant 1 : i32
    %select_n3A_31 = arith.select %eq3A_29, %jit3A_30, %jit3A_28 : i32
    %rem3A_32 = vector.broadcast %select_n3A_31 : i32 to vector<16xi32>
    %rem3A_33 = arith.remsi %add3A_4, %rem3A_32 : vector<16xi32>
    %ne3A_34 = arith.constant 0 : i32
    %ne3A_35 = vector.broadcast %ne3A_34 : i32 to vector<16xi32>
    %ne3A_36 = arith.cmpi ne, %rem3A_33, %ne3A_35 : vector<16xi32>
    %lt3A = arith.constant 0 : i32
    %lt3A_37 = vector.broadcast %lt3A : i32 to vector<16xi32>
    %lt3A_38 = arith.cmpi slt, %rem3A_33, %lt3A_37 : vector<16xi32>
    %lt3A_39 = arith.constant 0 : i32
    %lt3A_40 = arith.cmpi slt, %select_n3A_31, %lt3A_39 : i32
    %ne3A_41 = vector.broadcast %lt3A_40 : i1 to vector<16xi1>
    %ne3A_42 = vector.broadcast %ne3A_41 : vector<16xi1> to vector<16xi1>
    %ne3A_43 = arith.xori %lt3A_38, %ne3A_42 : vector<16xi1>
    %and3A_44 = arith.andi %ne3A_43, %ne3A_36 : vector<16xi1>
    %add3A_45 = vector.broadcast %select_n3A_31 : i32 to vector<16xi32>
    %add3A_46 = arith.addi %rem3A_33, %add3A_45 : vector<16xi32>
    %select_n3A_47 = arith.select %and3A_44, %add3A_46, %rem3A_33 : vector<16xi1>, vector<16xi32>
    %broadcast_in_dim3A_48 = arith.constant 16 : i32
    %broadcast_in_dim3A_49 = vector.broadcast %broadcast_in_dim3A_48 : i32 to vector<16xi32>
    %add3A_50 = arith.addi %broadcast_in_dim3A_49, %iota3A : vector<16xi32>
    %jit3A_51 = arith.constant 8 : i32
    %div3A_52 = vector.broadcast %jit3A_51 : i32 to vector<16xi32>
    %div3A_53 = arith.divsi %add3A_50, %div3A_52 : vector<16xi32>
    %sign3A_54 = arith.constant 0 : i32
    %sign3A_55 = vector.broadcast %sign3A_54 : i32 to vector<16xi32>
    %sign3A_56 = arith.cmpi sgt, %add3A_50, %sign3A_55 : vector<16xi32>
    %sign3A_57 = arith.extui %sign3A_56 : vector<16xi1> to vector<16xi32>
    %sign3A_58 = arith.constant 0 : i32
    %sign3A_59 = vector.broadcast %sign3A_58 : i32 to vector<16xi32>
    %sign3A_60 = arith.cmpi slt, %add3A_50, %sign3A_59 : vector<16xi32>
    %sign3A_61 = arith.extui %sign3A_60 : vector<16xi1> to vector<16xi32>
    %sign3A_62 = arith.subi %sign3A_57, %sign3A_61 : vector<16xi32>
    %sign3A_63 = arith.constant 0 : i32
    %sign3A_64 = arith.cmpi sgt, %jit3A_51, %sign3A_63 : i32
    %sign3A_65 = arith.extui %sign3A_64 : i1 to i32
    %sign3A_66 = arith.constant 0 : i32
    %sign3A_67 = arith.cmpi slt, %jit3A_51, %sign3A_66 : i32
    %sign3A_68 = arith.extui %sign3A_67 : i1 to i32
    %sign3A_69 = arith.subi %sign3A_65, %sign3A_68 : i32
    %ne3A_70 = vector.broadcast %sign3A_69 : i32 to vector<16xi32>
    %ne3A_71 = arith.cmpi ne, %sign3A_62, %ne3A_70 : vector<16xi32>
    %rem3A_72 = vector.broadcast %jit3A_51 : i32 to vector<16xi32>
    %rem3A_73 = arith.remsi %add3A_50, %rem3A_72 : vector<16xi32>
    %ne3A_74 = arith.constant 0 : i32
    %ne3A_75 = vector.broadcast %ne3A_74 : i32 to vector<16xi32>
    %ne3A_76 = arith.cmpi ne, %rem3A_73, %ne3A_75 : vector<16xi32>
    %and3A_77 = arith.andi %ne3A_71, %ne3A_76 : vector<16xi1>
    %sub3A_78 = arith.constant 1 : i32
    %sub3A_79 = vector.broadcast %sub3A_78 : i32 to vector<16xi32>
    %sub3A_80 = arith.subi %div3A_53, %sub3A_79 : vector<16xi32>
    %select_n3A_81 = arith.select %and3A_77, %sub3A_80, %div3A_53 : vector<16xi1>, vector<16xi32>
    %jit3A_82 = arith.constant 8 : i32
    %eq3A_83 = arith.constant 0 : i32
    %eq3A_84 = arith.cmpi eq, %jit3A_82, %eq3A_83 : i32
    %jit3A_85 = arith.constant 1 : i32
    %select_n3A_86 = arith.select %eq3A_84, %jit3A_85, %jit3A_82 : i32
    %rem3A_87 = vector.broadcast %select_n3A_86 : i32 to vector<16xi32>
    %rem3A_88 = arith.remsi %add3A_50, %rem3A_87 : vector<16xi32>
    %ne3A_89 = arith.constant 0 : i32
    %ne3A_90 = vector.broadcast %ne3A_89 : i32 to vector<16xi32>
    %ne3A_91 = arith.cmpi ne, %rem3A_88, %ne3A_90 : vector<16xi32>
    %lt3A_92 = arith.constant 0 : i32
    %lt3A_93 = vector.broadcast %lt3A_92 : i32 to vector<16xi32>
    %lt3A_94 = arith.cmpi slt, %rem3A_88, %lt3A_93 : vector<16xi32>
    %lt3A_95 = arith.constant 0 : i32
    %lt3A_96 = arith.cmpi slt, %select_n3A_86, %lt3A_95 : i32
    %ne3A_97 = vector.broadcast %lt3A_96 : i1 to vector<16xi1>
    %ne3A_98 = vector.broadcast %ne3A_97 : vector<16xi1> to vector<16xi1>
    %ne3A_99 = arith.xori %lt3A_94, %ne3A_98 : vector<16xi1>
    %and3A_100 = arith.andi %ne3A_99, %ne3A_91 : vector<16xi1>
    %add3A_101 = vector.broadcast %select_n3A_86 : i32 to vector<16xi32>
    %add3A_102 = arith.addi %rem3A_88, %add3A_101 : vector<16xi32>
    %select_n3A_103 = arith.select %and3A_100, %add3A_102, %rem3A_88 : vector<16xi1>, vector<16xi32>
    %broadcast_in_dim3A_104 = arith.constant 32 : i32
    %broadcast_in_dim3A_105 = vector.broadcast %broadcast_in_dim3A_104 : i32 to vector<16xi32>
    %add3A_106 = arith.addi %broadcast_in_dim3A_105, %iota3A : vector<16xi32>
    %jit3A_107 = arith.constant 8 : i32
    %div3A_108 = vector.broadcast %jit3A_107 : i32 to vector<16xi32>
    %div3A_109 = arith.divsi %add3A_106, %div3A_108 : vector<16xi32>
    %sign3A_110 = arith.constant 0 : i32
    %sign3A_111 = vector.broadcast %sign3A_110 : i32 to vector<16xi32>
    %sign3A_112 = arith.cmpi sgt, %add3A_106, %sign3A_111 : vector<16xi32>
    %sign3A_113 = arith.extui %sign3A_112 : vector<16xi1> to vector<16xi32>
    %sign3A_114 = arith.constant 0 : i32
    %sign3A_115 = vector.broadcast %sign3A_114 : i32 to vector<16xi32>
    %sign3A_116 = arith.cmpi slt, %add3A_106, %sign3A_115 : vector<16xi32>
    %sign3A_117 = arith.extui %sign3A_116 : vector<16xi1> to vector<16xi32>
    %sign3A_118 = arith.subi %sign3A_113, %sign3A_117 : vector<16xi32>
    %sign3A_119 = arith.constant 0 : i32
    %sign3A_120 = arith.cmpi sgt, %jit3A_107, %sign3A_119 : i32
    %sign3A_121 = arith.extui %sign3A_120 : i1 to i32
    %sign3A_122 = arith.constant 0 : i32
    %sign3A_123 = arith.cmpi slt, %jit3A_107, %sign3A_122 : i32
    %sign3A_124 = arith.extui %sign3A_123 : i1 to i32
    %sign3A_125 = arith.subi %sign3A_121, %sign3A_124 : i32
    %ne3A_126 = vector.broadcast %sign3A_125 : i32 to vector<16xi32>
    %ne3A_127 = arith.cmpi ne, %sign3A_118, %ne3A_126 : vector<16xi32>
    %rem3A_128 = vector.broadcast %jit3A_107 : i32 to vector<16xi32>
    %rem3A_129 = arith.remsi %add3A_106, %rem3A_128 : vector<16xi32>
    %ne3A_130 = arith.constant 0 : i32
    %ne3A_131 = vector.broadcast %ne3A_130 : i32 to vector<16xi32>
    %ne3A_132 = arith.cmpi ne, %rem3A_129, %ne3A_131 : vector<16xi32>
    %and3A_133 = arith.andi %ne3A_127, %ne3A_132 : vector<16xi1>
    %sub3A_134 = arith.constant 1 : i32
    %sub3A_135 = vector.broadcast %sub3A_134 : i32 to vector<16xi32>
    %sub3A_136 = arith.subi %div3A_109, %sub3A_135 : vector<16xi32>
    %select_n3A_137 = arith.select %and3A_133, %sub3A_136, %div3A_109 : vector<16xi1>, vector<16xi32>
    %jit3A_138 = arith.constant 8 : i32
    %eq3A_139 = arith.constant 0 : i32
    %eq3A_140 = arith.cmpi eq, %jit3A_138, %eq3A_139 : i32
    %jit3A_141 = arith.constant 1 : i32
    %select_n3A_142 = arith.select %eq3A_140, %jit3A_141, %jit3A_138 : i32
    %rem3A_143 = vector.broadcast %select_n3A_142 : i32 to vector<16xi32>
    %rem3A_144 = arith.remsi %add3A_106, %rem3A_143 : vector<16xi32>
    %ne3A_145 = arith.constant 0 : i32
    %ne3A_146 = vector.broadcast %ne3A_145 : i32 to vector<16xi32>
    %ne3A_147 = arith.cmpi ne, %rem3A_144, %ne3A_146 : vector<16xi32>
    %lt3A_148 = arith.constant 0 : i32
    %lt3A_149 = vector.broadcast %lt3A_148 : i32 to vector<16xi32>
    %lt3A_150 = arith.cmpi slt, %rem3A_144, %lt3A_149 : vector<16xi32>
    %lt3A_151 = arith.constant 0 : i32
    %lt3A_152 = arith.cmpi slt, %select_n3A_142, %lt3A_151 : i32
    %ne3A_153 = vector.broadcast %lt3A_152 : i1 to vector<16xi1>
    %ne3A_154 = vector.broadcast %ne3A_153 : vector<16xi1> to vector<16xi1>
    %ne3A_155 = arith.xori %lt3A_150, %ne3A_154 : vector<16xi1>
    %and3A_156 = arith.andi %ne3A_155, %ne3A_147 : vector<16xi1>
    %add3A_157 = vector.broadcast %select_n3A_142 : i32 to vector<16xi32>
    %add3A_158 = arith.addi %rem3A_144, %add3A_157 : vector<16xi32>
    %select_n3A_159 = arith.select %and3A_156, %add3A_158, %rem3A_144 : vector<16xi1>, vector<16xi32>
    %broadcast_in_dim3A_160 = arith.constant 48 : i32
    %broadcast_in_dim3A_161 = vector.broadcast %broadcast_in_dim3A_160 : i32 to vector<16xi32>
    %add3A_162 = arith.addi %broadcast_in_dim3A_161, %iota3A : vector<16xi32>
    %jit3A_163 = arith.constant 8 : i32
    %div3A_164 = vector.broadcast %jit3A_163 : i32 to vector<16xi32>
    %div3A_165 = arith.divsi %add3A_162, %div3A_164 : vector<16xi32>
    %sign3A_166 = arith.constant 0 : i32
    %sign3A_167 = vector.broadcast %sign3A_166 : i32 to vector<16xi32>
    %sign3A_168 = arith.cmpi sgt, %add3A_162, %sign3A_167 : vector<16xi32>
    %sign3A_169 = arith.extui %sign3A_168 : vector<16xi1> to vector<16xi32>
    %sign3A_170 = arith.constant 0 : i32
    %sign3A_171 = vector.broadcast %sign3A_170 : i32 to vector<16xi32>
    %sign3A_172 = arith.cmpi slt, %add3A_162, %sign3A_171 : vector<16xi32>
    %sign3A_173 = arith.extui %sign3A_172 : vector<16xi1> to vector<16xi32>
    %sign3A_174 = arith.subi %sign3A_169, %sign3A_173 : vector<16xi32>
    %sign3A_175 = arith.constant 0 : i32
    %sign3A_176 = arith.cmpi sgt, %jit3A_163, %sign3A_175 : i32
    %sign3A_177 = arith.extui %sign3A_176 : i1 to i32
    %sign3A_178 = arith.constant 0 : i32
    %sign3A_179 = arith.cmpi slt, %jit3A_163, %sign3A_178 : i32
    %sign3A_180 = arith.extui %sign3A_179 : i1 to i32
    %sign3A_181 = arith.subi %sign3A_177, %sign3A_180 : i32
    %ne3A_182 = vector.broadcast %sign3A_181 : i32 to vector<16xi32>
    %ne3A_183 = arith.cmpi ne, %sign3A_174, %ne3A_182 : vector<16xi32>
    %rem3A_184 = vector.broadcast %jit3A_163 : i32 to vector<16xi32>
    %rem3A_185 = arith.remsi %add3A_162, %rem3A_184 : vector<16xi32>
    %ne3A_186 = arith.constant 0 : i32
    %ne3A_187 = vector.broadcast %ne3A_186 : i32 to vector<16xi32>
    %ne3A_188 = arith.cmpi ne, %rem3A_185, %ne3A_187 : vector<16xi32>
    %and3A_189 = arith.andi %ne3A_183, %ne3A_188 : vector<16xi1>
    %sub3A_190 = arith.constant 1 : i32
    %sub3A_191 = vector.broadcast %sub3A_190 : i32 to vector<16xi32>
    %sub3A_192 = arith.subi %div3A_165, %sub3A_191 : vector<16xi32>
    %select_n3A_193 = arith.select %and3A_189, %sub3A_192, %div3A_165 : vector<16xi1>, vector<16xi32>
    %jit3A_194 = arith.constant 8 : i32
    %eq3A_195 = arith.constant 0 : i32
    %eq3A_196 = arith.cmpi eq, %jit3A_194, %eq3A_195 : i32
    %jit3A_197 = arith.constant 1 : i32
    %select_n3A_198 = arith.select %eq3A_196, %jit3A_197, %jit3A_194 : i32
    %rem3A_199 = vector.broadcast %select_n3A_198 : i32 to vector<16xi32>
    %rem3A_200 = arith.remsi %add3A_162, %rem3A_199 : vector<16xi32>
    %ne3A_201 = arith.constant 0 : i32
    %ne3A_202 = vector.broadcast %ne3A_201 : i32 to vector<16xi32>
    %ne3A_203 = arith.cmpi ne, %rem3A_200, %ne3A_202 : vector<16xi32>
    %lt3A_204 = arith.constant 0 : i32
    %lt3A_205 = vector.broadcast %lt3A_204 : i32 to vector<16xi32>
    %lt3A_206 = arith.cmpi slt, %rem3A_200, %lt3A_205 : vector<16xi32>
    %lt3A_207 = arith.constant 0 : i32
    %lt3A_208 = arith.cmpi slt, %select_n3A_198, %lt3A_207 : i32
    %ne3A_209 = vector.broadcast %lt3A_208 : i1 to vector<16xi1>
    %ne3A_210 = vector.broadcast %ne3A_209 : vector<16xi1> to vector<16xi1>
    %ne3A_211 = arith.xori %lt3A_206, %ne3A_210 : vector<16xi1>
    %and3A_212 = arith.andi %ne3A_211, %ne3A_203 : vector<16xi1>
    %add3A_213 = vector.broadcast %select_n3A_198 : i32 to vector<16xi32>
    %add3A_214 = arith.addi %rem3A_200, %add3A_213 : vector<16xi32>
    %select_n3A_215 = arith.select %and3A_212, %add3A_214, %rem3A_200 : vector<16xi1>, vector<16xi32>
    %dma_start3A = arith.constant 0 : i32
    %dma_start3A_216 = arith.constant 0 : i32
    %dma_start3A_217 = arith.constant 0 : i32
    %dma_start3A_218 = arith.constant 0 : i32
    %dma_start3A_219 = tpu.memref_slice %arg8[%dma_start3A_216, %dma_start3A_217, %dma_start3A_218] : memref<4x128x64xf32, #tpu.memory_space<vmem>> -> memref<1x128x64xf32, #tpu.memory_space<vmem>>
    %dma_start3A_220 = tpu.memref_squeeze %dma_start3A_219 : memref<1x128x64xf32, #tpu.memory_space<vmem>> -> memref<128x64xf32, #tpu.memory_space<vmem>>
    %dma_start3A_221 = arith.constant 0 : i32
    %dma_start3A_222 = tpu.memref_slice %arg6[%dma_start3A, %dma_start3A_221] : memref<200x128xi32, #tpu.memory_space<vmem>> -> memref<1x128xi32, #tpu.memory_space<vmem>>
    %dma_start3A_223 = tpu.memref_squeeze %dma_start3A_222 : memref<1x128xi32, #tpu.memory_space<vmem>> -> memref<128xi32, #tpu.memory_space<vmem>>
    %dma_start3A_224 = arith.constant 0 : i32
    %dma_start3A_225 = arith.constant 0 : i32
    %dma_start3A_226 = tpu.memref_slice %arg3[%dma_start3A_224, %dma_start3A_225] : memref<1000000x64xf32, #tpu.memory_space<hbm>> -> memref<1000000x64xf32, #tpu.memory_space<hbm>>
    tpu.enqueue_indirect_dma source(%dma_start3A_226 : memref<1000000x64xf32, #tpu.memory_space<hbm>>) target(%dma_start3A_220 : memref<128x64xf32, #tpu.memory_space<vmem>>) offsets(%dma_start3A_223 : memref<128xi32, #tpu.memory_space<vmem>>) semaphore(%arg13 : memref<!tpu.dma_semaphore, #tpu.memory_space<semaphore_mem>>)
    %dma_start3A_227 = arith.constant 1 : i32
    %dma_start3A_228 = arith.constant 1 : i32
    %dma_start3A_229 = arith.constant 0 : i32
    %dma_start3A_230 = arith.constant 0 : i32
    %dma_start3A_231 = tpu.memref_slice %arg8[%dma_start3A_228, %dma_start3A_229, %dma_start3A_230] : memref<4x128x64xf32, #tpu.memory_space<vmem>> -> memref<1x128x64xf32, #tpu.memory_space<vmem>>
    %dma_start3A_232 = tpu.memref_squeeze %dma_start3A_231 : memref<1x128x64xf32, #tpu.memory_space<vmem>> -> memref<128x64xf32, #tpu.memory_space<vmem>>
    %dma_start3A_233 = arith.constant 0 : i32
    %dma_start3A_234 = tpu.memref_slice %arg6[%dma_start3A_227, %dma_start3A_233] : memref<200x128xi32, #tpu.memory_space<vmem>> -> memref<1x128xi32, #tpu.memory_space<vmem>>
    %dma_start3A_235 = tpu.memref_squeeze %dma_start3A_234 : memref<1x128xi32, #tpu.memory_space<vmem>> -> memref<128xi32, #tpu.memory_space<vmem>>
    %dma_start3A_236 = arith.constant 0 : i32
    %dma_start3A_237 = arith.constant 0 : i32
    %dma_start3A_238 = tpu.memref_slice %arg3[%dma_start3A_236, %dma_start3A_237] : memref<1000000x64xf32, #tpu.memory_space<hbm>> -> memref<1000000x64xf32, #tpu.memory_space<hbm>>
    tpu.enqueue_indirect_dma source(%dma_start3A_238 : memref<1000000x64xf32, #tpu.memory_space<hbm>>) target(%dma_start3A_232 : memref<128x64xf32, #tpu.memory_space<vmem>>) offsets(%dma_start3A_235 : memref<128xi32, #tpu.memory_space<vmem>>) semaphore(%arg14 : memref<!tpu.dma_semaphore, #tpu.memory_space<semaphore_mem>>)
    %dma_start3A_239 = arith.constant 2 : i32
    %dma_start3A_240 = arith.constant 2 : i32
    %dma_start3A_241 = arith.constant 0 : i32
    %dma_start3A_242 = arith.constant 0 : i32
    %dma_start3A_243 = tpu.memref_slice %arg8[%dma_start3A_240, %dma_start3A_241, %dma_start3A_242] : memref<4x128x64xf32, #tpu.memory_space<vmem>> -> memref<1x128x64xf32, #tpu.memory_space<vmem>>
    %dma_start3A_244 = tpu.memref_squeeze %dma_start3A_243 : memref<1x128x64xf32, #tpu.memory_space<vmem>> -> memref<128x64xf32, #tpu.memory_space<vmem>>
    %dma_start3A_245 = arith.constant 0 : i32
    %dma_start3A_246 = tpu.memref_slice %arg6[%dma_start3A_239, %dma_start3A_245] : memref<200x128xi32, #tpu.memory_space<vmem>> -> memref<1x128xi32, #tpu.memory_space<vmem>>
    %dma_start3A_247 = tpu.memref_squeeze %dma_start3A_246 : memref<1x128xi32, #tpu.memory_space<vmem>> -> memref<128xi32, #tpu.memory_space<vmem>>
    %dma_start3A_248 = arith.constant 0 : i32
    %dma_start3A_249 = arith.constant 0 : i32
    %dma_start3A_250 = tpu.memref_slice %arg3[%dma_start3A_248, %dma_start3A_249] : memref<1000000x64xf32, #tpu.memory_space<hbm>> -> memref<1000000x64xf32, #tpu.memory_space<hbm>>
    tpu.enqueue_indirect_dma source(%dma_start3A_250 : memref<1000000x64xf32, #tpu.memory_space<hbm>>) target(%dma_start3A_244 : memref<128x64xf32, #tpu.memory_space<vmem>>) offsets(%dma_start3A_247 : memref<128xi32, #tpu.memory_space<vmem>>) semaphore(%arg15 : memref<!tpu.dma_semaphore, #tpu.memory_space<semaphore_mem>>)
    %scan3A = arith.constant 0 : i32
    %scan3A_251 = arith.constant 0 : i32
    %scan3A_252 = arith.constant 50 : i32
    %scan3A_253 = arith.addi %scan3A_251, %scan3A_252 : i32
    %scan3A_254 = arith.constant 1 : i32
    %scan3A_255 = scf.for %scan3A_332 = %scan3A_251 to %scan3A_253 step %scan3A_254 iter_args(%scan3A_333 = %scan3A) -> (i32)  : i32 {
      %mul3A_334 = arith.constant 4 : i32
      %mul3A_335 = arith.muli %scan3A_332, %mul3A_334 : i32
      %add3A_336 = arith.constant 0 : i32
      %add3A_337 = arith.addi %mul3A_335, %add3A_336 : i32
      %dma_wait3A_338 = arith.constant 0 : i32
      %dma_wait3A_339 = arith.constant 0 : i32
      %dma_wait3A_340 = arith.constant 0 : i32
      %dma_wait3A_341 = tpu.memref_slice %arg8[%dma_wait3A_338, %dma_wait3A_339, %dma_wait3A_340] : memref<4x128x64xf32, #tpu.memory_space<vmem>> -> memref<1x128x64xf32, #tpu.memory_space<vmem>>
      %dma_wait3A_342 = tpu.memref_squeeze %dma_wait3A_341 : memref<1x128x64xf32, #tpu.memory_space<vmem>> -> memref<128x64xf32, #tpu.memory_space<vmem>>
      %dma_wait3A_343 = arith.constant 0 : i32
      %dma_wait3A_344 = arith.constant 0 : i32
      %dma_wait3A_345 = tpu.memref_slice %arg3[%dma_wait3A_343, %dma_wait3A_344] : memref<1000000x64xf32, #tpu.memory_space<hbm>> -> memref<128x64xf32, #tpu.memory_space<hbm>>
      %dma_wait3A_346 = arith.constant 0 : i32
      %dma_wait3A_347 = arith.constant 0 : i32
      %dma_wait3A_348 = tpu.memref_slice %arg8[%dma_wait3A_338, %dma_wait3A_346, %dma_wait3A_347] : memref<4x128x64xf32, #tpu.memory_space<vmem>> -> memref<1x128x64xf32, #tpu.memory_space<vmem>>
      %dma_wait3A_349 = tpu.memref_squeeze %dma_wait3A_348 : memref<1x128x64xf32, #tpu.memory_space<vmem>> -> memref<128x64xf32, #tpu.memory_space<vmem>>
      %dma_wait3A_350 = arith.constant 0 : i32
      %dma_wait3A_351 = arith.constant 0 : i32
      %dma_wait3A_352 = tpu.memref_slice %arg3[%dma_wait3A_350, %dma_wait3A_351] : memref<1000000x64xf32, #tpu.memory_space<hbm>> -> memref<128x64xf32, #tpu.memory_space<hbm>>
      tpu.wait_dma2 semaphore(%arg13 : memref<!tpu.dma_semaphore, #tpu.memory_space<semaphore_mem>>) src(%dma_wait3A_352 : memref<128x64xf32, #tpu.memory_space<hbm>>) dst(%dma_wait3A_349 : memref<128x64xf32, #tpu.memory_space<vmem>>)
      %get3A = arith.index_cast %add3A_337 : i32 to index
      %get3A_353 = arith.constant 0 : index
      %get3A_354 = tpu.vector_load %arg7[%get3A, %get3A_353] {strides = array<i32>} : memref<200x64xf32, #tpu.memory_space<vmem>>, vector<16xf32>,
      %get3A_355 = arith.index_cast %add3A_337 : i32 to index
      %get3A_356 = arith.constant 16 : index
      %get3A_357 = tpu.vector_load %arg7[%get3A_355, %get3A_356] {strides = array<i32>} : memref<200x64xf32, #tpu.memory_space<vmem>>, vector<16xf32>,
      %get3A_358 = arith.index_cast %add3A_337 : i32 to index
      %get3A_359 = arith.constant 32 : index
      %get3A_360 = tpu.vector_load %arg7[%get3A_358, %get3A_359] {strides = array<i32>} : memref<200x64xf32, #tpu.memory_space<vmem>>, vector<16xf32>,
      %get3A_361 = arith.index_cast %add3A_337 : i32 to index
      %get3A_362 = arith.constant 48 : index
      %get3A_363 = tpu.vector_load %arg7[%get3A_361, %get3A_362] {strides = array<i32>} : memref<200x64xf32, #tpu.memory_space<vmem>>, vector<16xf32>,
      %parallel_loop3A = arith.constant 0 : i32
      %parallel_loop3A_364 = arith.constant 128 : i32
      %parallel_loop3A_365 = arith.constant 1 : i32
      scf.for %parallel_loop3A_569 = %parallel_loop3A to %parallel_loop3A_364 step %parallel_loop3A_365  : i32 {
        %parallel_loop3A_570 = vector.broadcast %parallel_loop3A_569 : i32 to vector<16xi32>
        %parallel_loop3A_571 = arith.constant 0 : i32
        %parallel_loop3A_572 = arith.index_cast %parallel_loop3A_571 : i32 to index
        %parallel_loop3A_573 = arith.index_cast %parallel_loop3A_569 : i32 to index
        %parallel_loop3A_574 = arith.constant 0 : index
        %parallel_loop3A_575 = tpu.vector_load %arg8[%parallel_loop3A_572, %parallel_loop3A_573, %parallel_loop3A_574] {strides = array<i32>} : memref<4x128x64xf32, #tpu.memory_space<vmem>>, vector<16xf32>,
        %parallel_loop3A_576 = arith.addf %parallel_loop3A_575, %get3A_354 : vector<16xf32>
        tpu.vector_store_idx %arg9[%select_n3A, %select_n3A_47, %parallel_loop3A_570], %parallel_loop3A_576 : memref<8x8x137xf32, #tpu.memory_space<vmem>>[vector<16xi32>, vector<16xi32>, vector<16xi32>], vector<16xf32>,
        %parallel_loop3A_577 = arith.constant 0 : i32
        %parallel_loop3A_578 = arith.index_cast %parallel_loop3A_577 : i32 to index
        %parallel_loop3A_579 = arith.index_cast %parallel_loop3A_569 : i32 to index
        %parallel_loop3A_580 = arith.constant 16 : index
        %parallel_loop3A_581 = tpu.vector_load %arg8[%parallel_loop3A_578, %parallel_loop3A_579, %parallel_loop3A_580] {strides = array<i32>} : memref<4x128x64xf32, #tpu.memory_space<vmem>>, vector<16xf32>,
        %parallel_loop3A_582 = arith.addf %parallel_loop3A_581, %get3A_357 : vector<16xf32>
        tpu.vector_store_idx %arg9[%select_n3A_81, %select_n3A_103, %parallel_loop3A_570], %parallel_loop3A_582 : memref<8x8x137xf32, #tpu.memory_space<vmem>>[vector<16xi32>, vector<16xi32>, vector<16xi32>], vector<16xf32>,
        %parallel_loop3A_583 = arith.constant 0 : i32
        %parallel_loop3A_584 = arith.index_cast %parallel_loop3A_583 : i32 to index
        %parallel_loop3A_585 = arith.index_cast %parallel_loop3A_569 : i32 to index
        %parallel_loop3A_586 = arith.constant 32 : index
        %parallel_loop3A_587 = tpu.vector_load %arg8[%parallel_loop3A_584, %parallel_loop3A_585, %parallel_loop3A_586] {strides = array<i32>} : memref<4x128x64xf32, #tpu.memory_space<vmem>>, vector<16xf32>,
        %parallel_loop3A_588 = arith.addf %parallel_loop3A_587, %get3A_360 : vector<16xf32>
        tpu.vector_store_idx %arg9[%select_n3A_137, %select_n3A_159, %parallel_loop3A_570], %parallel_loop3A_588 : memref<8x8x137xf32, #tpu.memory_space<vmem>>[vector<16xi32>, vector<16xi32>, vector<16xi32>], vector<16xf32>,
        %parallel_loop3A_589 = arith.constant 0 : i32
        %parallel_loop3A_590 = arith.index_cast %parallel_loop3A_589 : i32 to index
        %parallel_loop3A_591 = arith.index_cast %parallel_loop3A_569 : i32 to index
        %parallel_loop3A_592 = arith.constant 48 : index
        %parallel_loop3A_593 = tpu.vector_load %arg8[%parallel_loop3A_590, %parallel_loop3A_591, %parallel_loop3A_592] {strides = array<i32>} : memref<4x128x64xf32, #tpu.memory_space<vmem>>, vector<16xf32>,
        %parallel_loop3A_594 = arith.addf %parallel_loop3A_593, %get3A_363 : vector<16xf32>
        tpu.vector_store_idx %arg9[%select_n3A_193, %select_n3A_215, %parallel_loop3A_570], %parallel_loop3A_594 : memref<8x8x137xf32, #tpu.memory_space<vmem>>[vector<16xi32>, vector<16xi32>, vector<16xi32>], vector<16xf32>,
      } {sc.loop_unroll_factor = 4 : i64, sc.parallel_access}
      %dma_start3A_366 = arith.constant 0 : i32
      %dma_start3A_367 = arith.constant 0 : i32
      %dma_start3A_368 = arith.constant 0 : i32
      %dma_start3A_369 = tpu.memref_slice %arg9[%dma_start3A_366, %dma_start3A_367, %dma_start3A_368] : memref<8x8x137xf32, #tpu.memory_space<vmem>> -> memref<8x8x128xf32, #tpu.memory_space<vmem>>
      %dma_start3A_370 = arith.constant 0 : i32
      %dma_start3A_371 = arith.constant 0 : i32
      %dma_start3A_372 = arith.constant 0 : i32
      %dma_start3A_373 = tpu.memref_slice %arg5[%add3A_337, %dma_start3A_370, %add3A, %dma_start3A_371, %dma_start3A_372] : memref<200x8x32x8x128xf32, #tpu.memory_space<hbm>> -> memref<1x8x1x8x128xf32, #tpu.memory_space<hbm>>
      %dma_start3A_374 = tpu.memref_squeeze %dma_start3A_373 : memref<1x8x1x8x128xf32, #tpu.memory_space<hbm>> -> memref<8x8x128xf32, #tpu.memory_space<hbm>>
      %dma_start3A_375 = arith.constant 0 : i32
      %dma_start3A_376 = arith.constant 0 : i32
      %dma_start3A_377 = arith.constant 0 : i32
      %dma_start3A_378 = tpu.memref_slice %arg5[%add3A_337, %dma_start3A_375, %add3A, %dma_start3A_376, %dma_start3A_377] : memref<200x8x32x8x128xf32, #tpu.memory_space<hbm>> -> memref<1x8x1x8x128xf32, #tpu.memory_space<hbm>>
      %dma_start3A_379 = tpu.memref_squeeze %dma_start3A_378 : memref<1x8x1x8x128xf32, #tpu.memory_space<hbm>> -> memref<8x8x128xf32, #tpu.memory_space<hbm>>
      %dma_start3A_380 = arith.constant 0 : i32
      %dma_start3A_381 = arith.constant 0 : i32
      %dma_start3A_382 = arith.constant 0 : i32
      %dma_start3A_383 = tpu.memref_slice %arg9[%dma_start3A_380, %dma_start3A_381, %dma_start3A_382] : memref<8x8x137xf32, #tpu.memory_space<vmem>> -> memref<8x8x128xf32, #tpu.memory_space<vmem>>
      tpu.enqueue_dma source(%dma_start3A_383 : memref<8x8x128xf32, #tpu.memory_space<vmem>>) target(%dma_start3A_379 : memref<8x8x128xf32, #tpu.memory_space<hbm>>) target_semaphore(%arg17 : memref<!tpu.dma_semaphore, #tpu.memory_space<semaphore_mem>>)
      %add3A_384 = arith.constant 4 : i32
      %add3A_385 = arith.addi %add3A_337, %add3A_384 : i32
      %sub3A_386 = arith.constant 1 : i32
      %sub3A_387 = arith.subi %add3A_385, %sub3A_386 : i32
      %lt3A_388 = arith.constant 200 : i32
      %lt3A_389 = arith.cmpi slt, %sub3A_387, %lt3A_388 : i32
      %convert_element_type3A = arith.extui %lt3A_389 : i1 to i32
      %cond3A = arith.constant 0 : i32
      %cond3A_390 = arith.cmpi ne, %convert_element_type3A, %cond3A : i32
      scf.if %cond3A_390 {
        %ge3A = arith.constant 4 : i32
        %ge3A_569 = arith.cmpi sge, %sub3A_387, %ge3A : i32
        %convert_element_type3A_570 = arith.extui %ge3A_569 : i1 to i32
        %cond3A_571 = arith.constant 0 : i32
        %cond3A_572 = arith.cmpi ne, %convert_element_type3A_570, %cond3A_571 : i32
        scf.if %cond3A_572 {
          %sub3A_584 = arith.constant 4 : i32
          %sub3A_585 = arith.subi %sub3A_387, %sub3A_584 : i32
          %dma_wait3A_586 = arith.constant 0 : i32
          %dma_wait3A_587 = arith.constant 0 : i32
          %dma_wait3A_588 = arith.constant 0 : i32
          %dma_wait3A_589 = tpu.memref_slice %arg12[%dma_wait3A_586, %dma_wait3A_587, %dma_wait3A_588] : memref<8x8x137xf32, #tpu.memory_space<vmem>> -> memref<8x8x128xf32, #tpu.memory_space<vmem>>
          %dma_wait3A_590 = arith.constant 0 : i32
          %dma_wait3A_591 = arith.constant 0 : i32
          %dma_wait3A_592 = arith.constant 0 : i32
          %dma_wait3A_593 = tpu.memref_slice %arg5[%sub3A_585, %dma_wait3A_590, %add3A, %dma_wait3A_591, %dma_wait3A_592] : memref<200x8x32x8x128xf32, #tpu.memory_space<hbm>> -> memref<1x8x1x8x128xf32, #tpu.memory_space<hbm>>
          %dma_wait3A_594 = tpu.memref_squeeze %dma_wait3A_593 : memref<1x8x1x8x128xf32, #tpu.memory_space<hbm>> -> memref<8x8x128xf32, #tpu.memory_space<hbm>>
          %dma_wait3A_595 = arith.constant 0 : i32
          %dma_wait3A_596 = arith.constant 0 : i32
          %dma_wait3A_597 = arith.constant 0 : i32
          %dma_wait3A_598 = tpu.memref_slice %arg5[%sub3A_585, %dma_wait3A_595, %add3A, %dma_wait3A_596, %dma_wait3A_597] : memref<200x8x32x8x128xf32, #tpu.memory_space<hbm>> -> memref<1x8x1x8x128xf32, #tpu.memory_space<hbm>>
          %dma_wait3A_599 = tpu.memref_squeeze %dma_wait3A_598 : memref<1x8x1x8x128xf32, #tpu.memory_space<hbm>> -> memref<8x8x128xf32, #tpu.memory_space<hbm>>
          %dma_wait3A_600 = arith.constant 0 : i32
          %dma_wait3A_601 = arith.constant 0 : i32
          %dma_wait3A_602 = arith.constant 0 : i32
          %dma_wait3A_603 = tpu.memref_slice %arg12[%dma_wait3A_600, %dma_wait3A_601, %dma_wait3A_602] : memref<8x8x137xf32, #tpu.memory_space<vmem>> -> memref<8x8x128xf32, #tpu.memory_space<vmem>>
          tpu.wait_dma2 semaphore(%arg20 : memref<!tpu.dma_semaphore, #tpu.memory_space<semaphore_mem>>) src(%dma_wait3A_603 : memref<8x8x128xf32, #tpu.memory_space<vmem>>) dst(%dma_wait3A_599 : memref<8x8x128xf32, #tpu.memory_space<hbm>>)
        } else {
        }
        %dma_start3A_573 = arith.constant 3 : i32
        %dma_start3A_574 = arith.constant 0 : i32
        %dma_start3A_575 = arith.constant 0 : i32
        %dma_start3A_576 = tpu.memref_slice %arg8[%dma_start3A_573, %dma_start3A_574, %dma_start3A_575] : memref<4x128x64xf32, #tpu.memory_space<vmem>> -> memref<1x128x64xf32, #tpu.memory_space<vmem>>
        %dma_start3A_577 = tpu.memref_squeeze %dma_start3A_576 : memref<1x128x64xf32, #tpu.memory_space<vmem>> -> memref<128x64xf32, #tpu.memory_space<vmem>>
        %dma_start3A_578 = arith.constant 0 : i32
        %dma_start3A_579 = tpu.memref_slice %arg6[%sub3A_387, %dma_start3A_578] : memref<200x128xi32, #tpu.memory_space<vmem>> -> memref<1x128xi32, #tpu.memory_space<vmem>>
        %dma_start3A_580 = tpu.memref_squeeze %dma_start3A_579 : memref<1x128xi32, #tpu.memory_space<vmem>> -> memref<128xi32, #tpu.memory_space<vmem>>
        %dma_start3A_581 = arith.constant 0 : i32
        %dma_start3A_582 = arith.constant 0 : i32
        %dma_start3A_583 = tpu.memref_slice %arg3[%dma_start3A_581, %dma_start3A_582] : memref<1000000x64xf32, #tpu.memory_space<hbm>> -> memref<1000000x64xf32, #tpu.memory_space<hbm>>
        tpu.enqueue_indirect_dma source(%dma_start3A_583 : memref<1000000x64xf32, #tpu.memory_space<hbm>>) target(%dma_start3A_577 : memref<128x64xf32, #tpu.memory_space<vmem>>) offsets(%dma_start3A_580 : memref<128xi32, #tpu.memory_space<vmem>>) semaphore(%arg16 : memref<!tpu.dma_semaphore, #tpu.memory_space<semaphore_mem>>)
      } else {
      }
      %add3A_391 = arith.constant 1 : i32
      %add3A_392 = arith.addi %mul3A_335, %add3A_391 : i32
      %dma_wait3A_393 = arith.constant 1 : i32
      %dma_wait3A_394 = arith.constant 0 : i32
      %dma_wait3A_395 = arith.constant 0 : i32
      %dma_wait3A_396 = tpu.memref_slice %arg8[%dma_wait3A_393, %dma_wait3A_394, %dma_wait3A_395] : memref<4x128x64xf32, #tpu.memory_space<vmem>> -> memref<1x128x64xf32, #tpu.memory_space<vmem>>
      %dma_wait3A_397 = tpu.memref_squeeze %dma_wait3A_396 : memref<1x128x64xf32, #tpu.memory_space<vmem>> -> memref<128x64xf32, #tpu.memory_space<vmem>>
      %dma_wait3A_398 = arith.constant 0 : i32
      %dma_wait3A_399 = arith.constant 0 : i32
      %dma_wait3A_400 = tpu.memref_slice %arg3[%dma_wait3A_398, %dma_wait3A_399] : memref<1000000x64xf32, #tpu.memory_space<hbm>> -> memref<128x64xf32, #tpu.memory_space<hbm>>
      %dma_wait3A_401 = arith.constant 0 : i32
      %dma_wait3A_402 = arith.constant 0 : i32
      %dma_wait3A_403 = tpu.memref_slice %arg8[%dma_wait3A_393, %dma_wait3A_401, %dma_wait3A_402] : memref<4x128x64xf32, #tpu.memory_space<vmem>> -> memref<1x128x64xf32, #tpu.memory_space<vmem>>
      %dma_wait3A_404 = tpu.memref_squeeze %dma_wait3A_403 : memref<1x128x64xf32, #tpu.memory_space<vmem>> -> memref<128x64xf32, #tpu.memory_space<vmem>>
      %dma_wait3A_405 = arith.constant 0 : i32
      %dma_wait3A_406 = arith.constant 0 : i32
      %dma_wait3A_407 = tpu.memref_slice %arg3[%dma_wait3A_405, %dma_wait3A_406] : memref<1000000x64xf32, #tpu.memory_space<hbm>> -> memref<128x64xf32, #tpu.memory_space<hbm>>
      tpu.wait_dma2 semaphore(%arg14 : memref<!tpu.dma_semaphore, #tpu.memory_space<semaphore_mem>>) src(%dma_wait3A_407 : memref<128x64xf32, #tpu.memory_space<hbm>>) dst(%dma_wait3A_404 : memref<128x64xf32, #tpu.memory_space<vmem>>)
      %get3A_408 = arith.index_cast %add3A_392 : i32 to index
      %get3A_409 = arith.constant 0 : index
      %get3A_410 = tpu.vector_load %arg7[%get3A_408, %get3A_409] {strides = array<i32>} : memref<200x64xf32, #tpu.memory_space<vmem>>, vector<16xf32>,
      %get3A_411 = arith.index_cast %add3A_392 : i32 to index
      %get3A_412 = arith.constant 16 : index
      %get3A_413 = tpu.vector_load %arg7[%get3A_411, %get3A_412] {strides = array<i32>} : memref<200x64xf32, #tpu.memory_space<vmem>>, vector<16xf32>,
      %get3A_414 = arith.index_cast %add3A_392 : i32 to index
      %get3A_415 = arith.constant 32 : index
      %get3A_416 = tpu.vector_load %arg7[%get3A_414, %get3A_415] {strides = array<i32>} : memref<200x64xf32, #tpu.memory_space<vmem>>, vector<16xf32>,
      %get3A_417 = arith.index_cast %add3A_392 : i32 to index
      %get3A_418 = arith.constant 48 : index
      %get3A_419 = tpu.vector_load %arg7[%get3A_417, %get3A_418] {strides = array<i32>} : memref<200x64xf32, #tpu.memory_space<vmem>>, vector<16xf32>,
      %parallel_loop3A_420 = arith.constant 0 : i32
      %parallel_loop3A_421 = arith.constant 128 : i32
      %parallel_loop3A_422 = arith.constant 1 : i32
      scf.for %parallel_loop3A_569 = %parallel_loop3A_420 to %parallel_loop3A_421 step %parallel_loop3A_422  : i32 {
        %parallel_loop3A_570 = vector.broadcast %parallel_loop3A_569 : i32 to vector<16xi32>
        %parallel_loop3A_571 = arith.constant 1 : i32
        %parallel_loop3A_572 = arith.index_cast %parallel_loop3A_571 : i32 to index
        %parallel_loop3A_573 = arith.index_cast %parallel_loop3A_569 : i32 to index
        %parallel_loop3A_574 = arith.constant 0 : index
        %parallel_loop3A_575 = tpu.vector_load %arg8[%parallel_loop3A_572, %parallel_loop3A_573, %parallel_loop3A_574] {strides = array<i32>} : memref<4x128x64xf32, #tpu.memory_space<vmem>>, vector<16xf32>,
        %parallel_loop3A_576 = arith.addf %parallel_loop3A_575, %get3A_410 : vector<16xf32>
        tpu.vector_store_idx %arg10[%select_n3A, %select_n3A_47, %parallel_loop3A_570], %parallel_loop3A_576 : memref<8x8x137xf32, #tpu.memory_space<vmem>>[vector<16xi32>, vector<16xi32>, vector<16xi32>], vector<16xf32>,
        %parallel_loop3A_577 = arith.constant 1 : i32
        %parallel_loop3A_578 = arith.index_cast %parallel_loop3A_577 : i32 to index
        %parallel_loop3A_579 = arith.index_cast %parallel_loop3A_569 : i32 to index
        %parallel_loop3A_580 = arith.constant 16 : index
        %parallel_loop3A_581 = tpu.vector_load %arg8[%parallel_loop3A_578, %parallel_loop3A_579, %parallel_loop3A_580] {strides = array<i32>} : memref<4x128x64xf32, #tpu.memory_space<vmem>>, vector<16xf32>,
        %parallel_loop3A_582 = arith.addf %parallel_loop3A_581, %get3A_413 : vector<16xf32>
        tpu.vector_store_idx %arg10[%select_n3A_81, %select_n3A_103, %parallel_loop3A_570], %parallel_loop3A_582 : memref<8x8x137xf32, #tpu.memory_space<vmem>>[vector<16xi32>, vector<16xi32>, vector<16xi32>], vector<16xf32>,
        %parallel_loop3A_583 = arith.constant 1 : i32
        %parallel_loop3A_584 = arith.index_cast %parallel_loop3A_583 : i32 to index
        %parallel_loop3A_585 = arith.index_cast %parallel_loop3A_569 : i32 to index
        %parallel_loop3A_586 = arith.constant 32 : index
        %parallel_loop3A_587 = tpu.vector_load %arg8[%parallel_loop3A_584, %parallel_loop3A_585, %parallel_loop3A_586] {strides = array<i32>} : memref<4x128x64xf32, #tpu.memory_space<vmem>>, vector<16xf32>,
        %parallel_loop3A_588 = arith.addf %parallel_loop3A_587, %get3A_416 : vector<16xf32>
        tpu.vector_store_idx %arg10[%select_n3A_137, %select_n3A_159, %parallel_loop3A_570], %parallel_loop3A_588 : memref<8x8x137xf32, #tpu.memory_space<vmem>>[vector<16xi32>, vector<16xi32>, vector<16xi32>], vector<16xf32>,
        %parallel_loop3A_589 = arith.constant 1 : i32
        %parallel_loop3A_590 = arith.index_cast %parallel_loop3A_589 : i32 to index
        %parallel_loop3A_591 = arith.index_cast %parallel_loop3A_569 : i32 to index
        %parallel_loop3A_592 = arith.constant 48 : index
        %parallel_loop3A_593 = tpu.vector_load %arg8[%parallel_loop3A_590, %parallel_loop3A_591, %parallel_loop3A_592] {strides = array<i32>} : memref<4x128x64xf32, #tpu.memory_space<vmem>>, vector<16xf32>,
        %parallel_loop3A_594 = arith.addf %parallel_loop3A_593, %get3A_419 : vector<16xf32>
        tpu.vector_store_idx %arg10[%select_n3A_193, %select_n3A_215, %parallel_loop3A_570], %parallel_loop3A_594 : memref<8x8x137xf32, #tpu.memory_space<vmem>>[vector<16xi32>, vector<16xi32>, vector<16xi32>], vector<16xf32>,
      } {sc.loop_unroll_factor = 4 : i64, sc.parallel_access}
      %dma_start3A_423 = arith.constant 0 : i32
      %dma_start3A_424 = arith.constant 0 : i32
      %dma_start3A_425 = arith.constant 0 : i32
      %dma_start3A_426 = tpu.memref_slice %arg10[%dma_start3A_423, %dma_start3A_424, %dma_start3A_425] : memref<8x8x137xf32, #tpu.memory_space<vmem>> -> memref<8x8x128xf32, #tpu.memory_space<vmem>>
      %dma_start3A_427 = arith.constant 0 : i32
      %dma_start3A_428 = arith.constant 0 : i32
      %dma_start3A_429 = arith.constant 0 : i32
      %dma_start3A_430 = tpu.memref_slice %arg5[%add3A_392, %dma_start3A_427, %add3A, %dma_start3A_428, %dma_start3A_429] : memref<200x8x32x8x128xf32, #tpu.memory_space<hbm>> -> memref<1x8x1x8x128xf32, #tpu.memory_space<hbm>>
      %dma_start3A_431 = tpu.memref_squeeze %dma_start3A_430 : memref<1x8x1x8x128xf32, #tpu.memory_space<hbm>> -> memref<8x8x128xf32, #tpu.memory_space<hbm>>
      %dma_start3A_432 = arith.constant 0 : i32
      %dma_start3A_433 = arith.constant 0 : i32
      %dma_start3A_434 = arith.constant 0 : i32
      %dma_start3A_435 = tpu.memref_slice %arg5[%add3A_392, %dma_start3A_432, %add3A, %dma_start3A_433, %dma_start3A_434] : memref<200x8x32x8x128xf32, #tpu.memory_space<hbm>> -> memref<1x8x1x8x128xf32, #tpu.memory_space<hbm>>
      %dma_start3A_436 = tpu.memref_squeeze %dma_start3A_435 : memref<1x8x1x8x128xf32, #tpu.memory_space<hbm>> -> memref<8x8x128xf32, #tpu.memory_space<hbm>>
      %dma_start3A_437 = arith.constant 0 : i32
      %dma_start3A_438 = arith.constant 0 : i32
      %dma_start3A_439 = arith.constant 0 : i32
      %dma_start3A_440 = tpu.memref_slice %arg10[%dma_start3A_437, %dma_start3A_438, %dma_start3A_439] : memref<8x8x137xf32, #tpu.memory_space<vmem>> -> memref<8x8x128xf32, #tpu.memory_space<vmem>>
      tpu.enqueue_dma source(%dma_start3A_440 : memref<8x8x128xf32, #tpu.memory_space<vmem>>) target(%dma_start3A_436 : memref<8x8x128xf32, #tpu.memory_space<hbm>>) target_semaphore(%arg18 : memref<!tpu.dma_semaphore, #tpu.memory_space<semaphore_mem>>)
      %add3A_441 = arith.constant 4 : i32
      %add3A_442 = arith.addi %add3A_392, %add3A_441 : i32
      %sub3A_443 = arith.constant 1 : i32
      %sub3A_444 = arith.subi %add3A_442, %sub3A_443 : i32
      %lt3A_445 = arith.constant 200 : i32
      %lt3A_446 = arith.cmpi slt, %sub3A_444, %lt3A_445 : i32
      %convert_element_type3A_447 = arith.extui %lt3A_446 : i1 to i32
      %cond3A_448 = arith.constant 0 : i32
      %cond3A_449 = arith.cmpi ne, %convert_element_type3A_447, %cond3A_448 : i32
      scf.if %cond3A_449 {
        %ge3A = arith.constant 4 : i32
        %ge3A_569 = arith.cmpi sge, %sub3A_444, %ge3A : i32
        %convert_element_type3A_570 = arith.extui %ge3A_569 : i1 to i32
        %cond3A_571 = arith.constant 0 : i32
        %cond3A_572 = arith.cmpi ne, %convert_element_type3A_570, %cond3A_571 : i32
        scf.if %cond3A_572 {
          %sub3A_584 = arith.constant 4 : i32
          %sub3A_585 = arith.subi %sub3A_444, %sub3A_584 : i32
          %dma_wait3A_586 = arith.constant 0 : i32
          %dma_wait3A_587 = arith.constant 0 : i32
          %dma_wait3A_588 = arith.constant 0 : i32
          %dma_wait3A_589 = tpu.memref_slice %arg9[%dma_wait3A_586, %dma_wait3A_587, %dma_wait3A_588] : memref<8x8x137xf32, #tpu.memory_space<vmem>> -> memref<8x8x128xf32, #tpu.memory_space<vmem>>
          %dma_wait3A_590 = arith.constant 0 : i32
          %dma_wait3A_591 = arith.constant 0 : i32
          %dma_wait3A_592 = arith.constant 0 : i32
          %dma_wait3A_593 = tpu.memref_slice %arg5[%sub3A_585, %dma_wait3A_590, %add3A, %dma_wait3A_591, %dma_wait3A_592] : memref<200x8x32x8x128xf32, #tpu.memory_space<hbm>> -> memref<1x8x1x8x128xf32, #tpu.memory_space<hbm>>
          %dma_wait3A_594 = tpu.memref_squeeze %dma_wait3A_593 : memref<1x8x1x8x128xf32, #tpu.memory_space<hbm>> -> memref<8x8x128xf32, #tpu.memory_space<hbm>>
          %dma_wait3A_595 = arith.constant 0 : i32
          %dma_wait3A_596 = arith.constant 0 : i32
          %dma_wait3A_597 = arith.constant 0 : i32
          %dma_wait3A_598 = tpu.memref_slice %arg5[%sub3A_585, %dma_wait3A_595, %add3A, %dma_wait3A_596, %dma_wait3A_597] : memref<200x8x32x8x128xf32, #tpu.memory_space<hbm>> -> memref<1x8x1x8x128xf32, #tpu.memory_space<hbm>>
          %dma_wait3A_599 = tpu.memref_squeeze %dma_wait3A_598 : memref<1x8x1x8x128xf32, #tpu.memory_space<hbm>> -> memref<8x8x128xf32, #tpu.memory_space<hbm>>
          %dma_wait3A_600 = arith.constant 0 : i32
          %dma_wait3A_601 = arith.constant 0 : i32
          %dma_wait3A_602 = arith.constant 0 : i32
          %dma_wait3A_603 = tpu.memref_slice %arg9[%dma_wait3A_600, %dma_wait3A_601, %dma_wait3A_602] : memref<8x8x137xf32, #tpu.memory_space<vmem>> -> memref<8x8x128xf32, #tpu.memory_space<vmem>>
          tpu.wait_dma2 semaphore(%arg17 : memref<!tpu.dma_semaphore, #tpu.memory_space<semaphore_mem>>) src(%dma_wait3A_603 : memref<8x8x128xf32, #tpu.memory_space<vmem>>) dst(%dma_wait3A_599 : memref<8x8x128xf32, #tpu.memory_space<hbm>>)
        } else {
        }
        %dma_start3A_573 = arith.constant 0 : i32
        %dma_start3A_574 = arith.constant 0 : i32
        %dma_start3A_575 = arith.constant 0 : i32
        %dma_start3A_576 = tpu.memref_slice %arg8[%dma_start3A_573, %dma_start3A_574, %dma_start3A_575] : memref<4x128x64xf32, #tpu.memory_space<vmem>> -> memref<1x128x64xf32, #tpu.memory_space<vmem>>
        %dma_start3A_577 = tpu.memref_squeeze %dma_start3A_576 : memref<1x128x64xf32, #tpu.memory_space<vmem>> -> memref<128x64xf32, #tpu.memory_space<vmem>>
        %dma_start3A_578 = arith.constant 0 : i32
        %dma_start3A_579 = tpu.memref_slice %arg6[%sub3A_444, %dma_start3A_578] : memref<200x128xi32, #tpu.memory_space<vmem>> -> memref<1x128xi32, #tpu.memory_space<vmem>>
        %dma_start3A_580 = tpu.memref_squeeze %dma_start3A_579 : memref<1x128xi32, #tpu.memory_space<vmem>> -> memref<128xi32, #tpu.memory_space<vmem>>
        %dma_start3A_581 = arith.constant 0 : i32
        %dma_start3A_582 = arith.constant 0 : i32
        %dma_start3A_583 = tpu.memref_slice %arg3[%dma_start3A_581, %dma_start3A_582] : memref<1000000x64xf32, #tpu.memory_space<hbm>> -> memref<1000000x64xf32, #tpu.memory_space<hbm>>
        tpu.enqueue_indirect_dma source(%dma_start3A_583 : memref<1000000x64xf32, #tpu.memory_space<hbm>>) target(%dma_start3A_577 : memref<128x64xf32, #tpu.memory_space<vmem>>) offsets(%dma_start3A_580 : memref<128xi32, #tpu.memory_space<vmem>>) semaphore(%arg13 : memref<!tpu.dma_semaphore, #tpu.memory_space<semaphore_mem>>)
      } else {
      }
      %add3A_450 = arith.constant 2 : i32
      %add3A_451 = arith.addi %mul3A_335, %add3A_450 : i32
      %dma_wait3A_452 = arith.constant 2 : i32
      %dma_wait3A_453 = arith.constant 0 : i32
      %dma_wait3A_454 = arith.constant 0 : i32
      %dma_wait3A_455 = tpu.memref_slice %arg8[%dma_wait3A_452, %dma_wait3A_453, %dma_wait3A_454] : memref<4x128x64xf32, #tpu.memory_space<vmem>> -> memref<1x128x64xf32, #tpu.memory_space<vmem>>
      %dma_wait3A_456 = tpu.memref_squeeze %dma_wait3A_455 : memref<1x128x64xf32, #tpu.memory_space<vmem>> -> memref<128x64xf32, #tpu.memory_space<vmem>>
      %dma_wait3A_457 = arith.constant 0 : i32
      %dma_wait3A_458 = arith.constant 0 : i32
      %dma_wait3A_459 = tpu.memref_slice %arg3[%dma_wait3A_457, %dma_wait3A_458] : memref<1000000x64xf32, #tpu.memory_space<hbm>> -> memref<128x64xf32, #tpu.memory_space<hbm>>
      %dma_wait3A_460 = arith.constant 0 : i32
      %dma_wait3A_461 = arith.constant 0 : i32
      %dma_wait3A_462 = tpu.memref_slice %arg8[%dma_wait3A_452, %dma_wait3A_460, %dma_wait3A_461] : memref<4x128x64xf32, #tpu.memory_space<vmem>> -> memref<1x128x64xf32, #tpu.memory_space<vmem>>
      %dma_wait3A_463 = tpu.memref_squeeze %dma_wait3A_462 : memref<1x128x64xf32, #tpu.memory_space<vmem>> -> memref<128x64xf32, #tpu.memory_space<vmem>>
      %dma_wait3A_464 = arith.constant 0 : i32
      %dma_wait3A_465 = arith.constant 0 : i32
      %dma_wait3A_466 = tpu.memref_slice %arg3[%dma_wait3A_464, %dma_wait3A_465] : memref<1000000x64xf32, #tpu.memory_space<hbm>> -> memref<128x64xf32, #tpu.memory_space<hbm>>
      tpu.wait_dma2 semaphore(%arg15 : memref<!tpu.dma_semaphore, #tpu.memory_space<semaphore_mem>>) src(%dma_wait3A_466 : memref<128x64xf32, #tpu.memory_space<hbm>>) dst(%dma_wait3A_463 : memref<128x64xf32, #tpu.memory_space<vmem>>)
      %get3A_467 = arith.index_cast %add3A_451 : i32 to index
      %get3A_468 = arith.constant 0 : index
      %get3A_469 = tpu.vector_load %arg7[%get3A_467, %get3A_468] {strides = array<i32>} : memref<200x64xf32, #tpu.memory_space<vmem>>, vector<16xf32>,
      %get3A_470 = arith.index_cast %add3A_451 : i32 to index
      %get3A_471 = arith.constant 16 : index
      %get3A_472 = tpu.vector_load %arg7[%get3A_470, %get3A_471] {strides = array<i32>} : memref<200x64xf32, #tpu.memory_space<vmem>>, vector<16xf32>,
      %get3A_473 = arith.index_cast %add3A_451 : i32 to index
      %get3A_474 = arith.constant 32 : index
      %get3A_475 = tpu.vector_load %arg7[%get3A_473, %get3A_474] {strides = array<i32>} : memref<200x64xf32, #tpu.memory_space<vmem>>, vector<16xf32>,
      %get3A_476 = arith.index_cast %add3A_451 : i32 to index
      %get3A_477 = arith.constant 48 : index
      %get3A_478 = tpu.vector_load %arg7[%get3A_476, %get3A_477] {strides = array<i32>} : memref<200x64xf32, #tpu.memory_space<vmem>>, vector<16xf32>,
      %parallel_loop3A_479 = arith.constant 0 : i32
      %parallel_loop3A_480 = arith.constant 128 : i32
      %parallel_loop3A_481 = arith.constant 1 : i32
      scf.for %parallel_loop3A_569 = %parallel_loop3A_479 to %parallel_loop3A_480 step %parallel_loop3A_481  : i32 {
        %parallel_loop3A_570 = vector.broadcast %parallel_loop3A_569 : i32 to vector<16xi32>
        %parallel_loop3A_571 = arith.constant 2 : i32
        %parallel_loop3A_572 = arith.index_cast %parallel_loop3A_571 : i32 to index
        %parallel_loop3A_573 = arith.index_cast %parallel_loop3A_569 : i32 to index
        %parallel_loop3A_574 = arith.constant 0 : index
        %parallel_loop3A_575 = tpu.vector_load %arg8[%parallel_loop3A_572, %parallel_loop3A_573, %parallel_loop3A_574] {strides = array<i32>} : memref<4x128x64xf32, #tpu.memory_space<vmem>>, vector<16xf32>,
        %parallel_loop3A_576 = arith.addf %parallel_loop3A_575, %get3A_469 : vector<16xf32>
        tpu.vector_store_idx %arg11[%select_n3A, %select_n3A_47, %parallel_loop3A_570], %parallel_loop3A_576 : memref<8x8x137xf32, #tpu.memory_space<vmem>>[vector<16xi32>, vector<16xi32>, vector<16xi32>], vector<16xf32>,
        %parallel_loop3A_577 = arith.constant 2 : i32
        %parallel_loop3A_578 = arith.index_cast %parallel_loop3A_577 : i32 to index
        %parallel_loop3A_579 = arith.index_cast %parallel_loop3A_569 : i32 to index
        %parallel_loop3A_580 = arith.constant 16 : index
        %parallel_loop3A_581 = tpu.vector_load %arg8[%parallel_loop3A_578, %parallel_loop3A_579, %parallel_loop3A_580] {strides = array<i32>} : memref<4x128x64xf32, #tpu.memory_space<vmem>>, vector<16xf32>,
        %parallel_loop3A_582 = arith.addf %parallel_loop3A_581, %get3A_472 : vector<16xf32>
        tpu.vector_store_idx %arg11[%select_n3A_81, %select_n3A_103, %parallel_loop3A_570], %parallel_loop3A_582 : memref<8x8x137xf32, #tpu.memory_space<vmem>>[vector<16xi32>, vector<16xi32>, vector<16xi32>], vector<16xf32>,
        %parallel_loop3A_583 = arith.constant 2 : i32
        %parallel_loop3A_584 = arith.index_cast %parallel_loop3A_583 : i32 to index
        %parallel_loop3A_585 = arith.index_cast %parallel_loop3A_569 : i32 to index
        %parallel_loop3A_586 = arith.constant 32 : index
        %parallel_loop3A_587 = tpu.vector_load %arg8[%parallel_loop3A_584, %parallel_loop3A_585, %parallel_loop3A_586] {strides = array<i32>} : memref<4x128x64xf32, #tpu.memory_space<vmem>>, vector<16xf32>,
        %parallel_loop3A_588 = arith.addf %parallel_loop3A_587, %get3A_475 : vector<16xf32>
        tpu.vector_store_idx %arg11[%select_n3A_137, %select_n3A_159, %parallel_loop3A_570], %parallel_loop3A_588 : memref<8x8x137xf32, #tpu.memory_space<vmem>>[vector<16xi32>, vector<16xi32>, vector<16xi32>], vector<16xf32>,
        %parallel_loop3A_589 = arith.constant 2 : i32
        %parallel_loop3A_590 = arith.index_cast %parallel_loop3A_589 : i32 to index
        %parallel_loop3A_591 = arith.index_cast %parallel_loop3A_569 : i32 to index
        %parallel_loop3A_592 = arith.constant 48 : index
        %parallel_loop3A_593 = tpu.vector_load %arg8[%parallel_loop3A_590, %parallel_loop3A_591, %parallel_loop3A_592] {strides = array<i32>} : memref<4x128x64xf32, #tpu.memory_space<vmem>>, vector<16xf32>,
        %parallel_loop3A_594 = arith.addf %parallel_loop3A_593, %get3A_478 : vector<16xf32>
        tpu.vector_store_idx %arg11[%select_n3A_193, %select_n3A_215, %parallel_loop3A_570], %parallel_loop3A_594 : memref<8x8x137xf32, #tpu.memory_space<vmem>>[vector<16xi32>, vector<16xi32>, vector<16xi32>], vector<16xf32>,
      } {sc.loop_unroll_factor = 4 : i64, sc.parallel_access}
      %dma_start3A_482 = arith.constant 0 : i32
      %dma_start3A_483 = arith.constant 0 : i32
      %dma_start3A_484 = arith.constant 0 : i32
      %dma_start3A_485 = tpu.memref_slice %arg11[%dma_start3A_482, %dma_start3A_483, %dma_start3A_484] : memref<8x8x137xf32, #tpu.memory_space<vmem>> -> memref<8x8x128xf32, #tpu.memory_space<vmem>>
      %dma_start3A_486 = arith.constant 0 : i32
      %dma_start3A_487 = arith.constant 0 : i32
      %dma_start3A_488 = arith.constant 0 : i32
      %dma_start3A_489 = tpu.memref_slice %arg5[%add3A_451, %dma_start3A_486, %add3A, %dma_start3A_487, %dma_start3A_488] : memref<200x8x32x8x128xf32, #tpu.memory_space<hbm>> -> memref<1x8x1x8x128xf32, #tpu.memory_space<hbm>>
      %dma_start3A_490 = tpu.memref_squeeze %dma_start3A_489 : memref<1x8x1x8x128xf32, #tpu.memory_space<hbm>> -> memref<8x8x128xf32, #tpu.memory_space<hbm>>
      %dma_start3A_491 = arith.constant 0 : i32
      %dma_start3A_492 = arith.constant 0 : i32
      %dma_start3A_493 = arith.constant 0 : i32
      %dma_start3A_494 = tpu.memref_slice %arg5[%add3A_451, %dma_start3A_491, %add3A, %dma_start3A_492, %dma_start3A_493] : memref<200x8x32x8x128xf32, #tpu.memory_space<hbm>> -> memref<1x8x1x8x128xf32, #tpu.memory_space<hbm>>
      %dma_start3A_495 = tpu.memref_squeeze %dma_start3A_494 : memref<1x8x1x8x128xf32, #tpu.memory_space<hbm>> -> memref<8x8x128xf32, #tpu.memory_space<hbm>>
      %dma_start3A_496 = arith.constant 0 : i32
      %dma_start3A_497 = arith.constant 0 : i32
      %dma_start3A_498 = arith.constant 0 : i32
      %dma_start3A_499 = tpu.memref_slice %arg11[%dma_start3A_496, %dma_start3A_497, %dma_start3A_498] : memref<8x8x137xf32, #tpu.memory_space<vmem>> -> memref<8x8x128xf32, #tpu.memory_space<vmem>>
      tpu.enqueue_dma source(%dma_start3A_499 : memref<8x8x128xf32, #tpu.memory_space<vmem>>) target(%dma_start3A_495 : memref<8x8x128xf32, #tpu.memory_space<hbm>>) target_semaphore(%arg19 : memref<!tpu.dma_semaphore, #tpu.memory_space<semaphore_mem>>)
      %add3A_500 = arith.constant 4 : i32
      %add3A_501 = arith.addi %add3A_451, %add3A_500 : i32
      %sub3A_502 = arith.constant 1 : i32
      %sub3A_503 = arith.subi %add3A_501, %sub3A_502 : i32
      %lt3A_504 = arith.constant 200 : i32
      %lt3A_505 = arith.cmpi slt, %sub3A_503, %lt3A_504 : i32
      %convert_element_type3A_506 = arith.extui %lt3A_505 : i1 to i32
      %cond3A_507 = arith.constant 0 : i32
      %cond3A_508 = arith.cmpi ne, %convert_element_type3A_506, %cond3A_507 : i32
      scf.if %cond3A_508 {
        %ge3A = arith.constant 4 : i32
        %ge3A_569 = arith.cmpi sge, %sub3A_503, %ge3A : i32
        %convert_element_type3A_570 = arith.extui %ge3A_569 : i1 to i32
        %cond3A_571 = arith.constant 0 : i32
        %cond3A_572 = arith.cmpi ne, %convert_element_type3A_570, %cond3A_571 : i32
        scf.if %cond3A_572 {
          %sub3A_584 = arith.constant 4 : i32
          %sub3A_585 = arith.subi %sub3A_503, %sub3A_584 : i32
          %dma_wait3A_586 = arith.constant 0 : i32
          %dma_wait3A_587 = arith.constant 0 : i32
          %dma_wait3A_588 = arith.constant 0 : i32
          %dma_wait3A_589 = tpu.memref_slice %arg10[%dma_wait3A_586, %dma_wait3A_587, %dma_wait3A_588] : memref<8x8x137xf32, #tpu.memory_space<vmem>> -> memref<8x8x128xf32, #tpu.memory_space<vmem>>
          %dma_wait3A_590 = arith.constant 0 : i32
          %dma_wait3A_591 = arith.constant 0 : i32
          %dma_wait3A_592 = arith.constant 0 : i32
          %dma_wait3A_593 = tpu.memref_slice %arg5[%sub3A_585, %dma_wait3A_590, %add3A, %dma_wait3A_591, %dma_wait3A_592] : memref<200x8x32x8x128xf32, #tpu.memory_space<hbm>> -> memref<1x8x1x8x128xf32, #tpu.memory_space<hbm>>
          %dma_wait3A_594 = tpu.memref_squeeze %dma_wait3A_593 : memref<1x8x1x8x128xf32, #tpu.memory_space<hbm>> -> memref<8x8x128xf32, #tpu.memory_space<hbm>>
          %dma_wait3A_595 = arith.constant 0 : i32
          %dma_wait3A_596 = arith.constant 0 : i32
          %dma_wait3A_597 = arith.constant 0 : i32
          %dma_wait3A_598 = tpu.memref_slice %arg5[%sub3A_585, %dma_wait3A_595, %add3A, %dma_wait3A_596, %dma_wait3A_597] : memref<200x8x32x8x128xf32, #tpu.memory_space<hbm>> -> memref<1x8x1x8x128xf32, #tpu.memory_space<hbm>>
          %dma_wait3A_599 = tpu.memref_squeeze %dma_wait3A_598 : memref<1x8x1x8x128xf32, #tpu.memory_space<hbm>> -> memref<8x8x128xf32, #tpu.memory_space<hbm>>
          %dma_wait3A_600 = arith.constant 0 : i32
          %dma_wait3A_601 = arith.constant 0 : i32
          %dma_wait3A_602 = arith.constant 0 : i32
          %dma_wait3A_603 = tpu.memref_slice %arg10[%dma_wait3A_600, %dma_wait3A_601, %dma_wait3A_602] : memref<8x8x137xf32, #tpu.memory_space<vmem>> -> memref<8x8x128xf32, #tpu.memory_space<vmem>>
          tpu.wait_dma2 semaphore(%arg18 : memref<!tpu.dma_semaphore, #tpu.memory_space<semaphore_mem>>) src(%dma_wait3A_603 : memref<8x8x128xf32, #tpu.memory_space<vmem>>) dst(%dma_wait3A_599 : memref<8x8x128xf32, #tpu.memory_space<hbm>>)
        } else {
        }
        %dma_start3A_573 = arith.constant 1 : i32
        %dma_start3A_574 = arith.constant 0 : i32
        %dma_start3A_575 = arith.constant 0 : i32
        %dma_start3A_576 = tpu.memref_slice %arg8[%dma_start3A_573, %dma_start3A_574, %dma_start3A_575] : memref<4x128x64xf32, #tpu.memory_space<vmem>> -> memref<1x128x64xf32, #tpu.memory_space<vmem>>
        %dma_start3A_577 = tpu.memref_squeeze %dma_start3A_576 : memref<1x128x64xf32, #tpu.memory_space<vmem>> -> memref<128x64xf32, #tpu.memory_space<vmem>>
        %dma_start3A_578 = arith.constant 0 : i32
        %dma_start3A_579 = tpu.memref_slice %arg6[%sub3A_503, %dma_start3A_578] : memref<200x128xi32, #tpu.memory_space<vmem>> -> memref<1x128xi32, #tpu.memory_space<vmem>>
        %dma_start3A_580 = tpu.memref_squeeze %dma_start3A_579 : memref<1x128xi32, #tpu.memory_space<vmem>> -> memref<128xi32, #tpu.memory_space<vmem>>
        %dma_start3A_581 = arith.constant 0 : i32
        %dma_start3A_582 = arith.constant 0 : i32
        %dma_start3A_583 = tpu.memref_slice %arg3[%dma_start3A_581, %dma_start3A_582] : memref<1000000x64xf32, #tpu.memory_space<hbm>> -> memref<1000000x64xf32, #tpu.memory_space<hbm>>
        tpu.enqueue_indirect_dma source(%dma_start3A_583 : memref<1000000x64xf32, #tpu.memory_space<hbm>>) target(%dma_start3A_577 : memref<128x64xf32, #tpu.memory_space<vmem>>) offsets(%dma_start3A_580 : memref<128xi32, #tpu.memory_space<vmem>>) semaphore(%arg14 : memref<!tpu.dma_semaphore, #tpu.memory_space<semaphore_mem>>)
      } else {
      }
      %add3A_509 = arith.constant 3 : i32
      %add3A_510 = arith.addi %mul3A_335, %add3A_509 : i32
      %dma_wait3A_511 = arith.constant 3 : i32
      %dma_wait3A_512 = arith.constant 0 : i32
      %dma_wait3A_513 = arith.constant 0 : i32
      %dma_wait3A_514 = tpu.memref_slice %arg8[%dma_wait3A_511, %dma_wait3A_512, %dma_wait3A_513] : memref<4x128x64xf32, #tpu.memory_space<vmem>> -> memref<1x128x64xf32, #tpu.memory_space<vmem>>
      %dma_wait3A_515 = tpu.memref_squeeze %dma_wait3A_514 : memref<1x128x64xf32, #tpu.memory_space<vmem>> -> memref<128x64xf32, #tpu.memory_space<vmem>>
      %dma_wait3A_516 = arith.constant 0 : i32
      %dma_wait3A_517 = arith.constant 0 : i32
      %dma_wait3A_518 = tpu.memref_slice %arg3[%dma_wait3A_516, %dma_wait3A_517] : memref<1000000x64xf32, #tpu.memory_space<hbm>> -> memref<128x64xf32, #tpu.memory_space<hbm>>
      %dma_wait3A_519 = arith.constant 0 : i32
      %dma_wait3A_520 = arith.constant 0 : i32
      %dma_wait3A_521 = tpu.memref_slice %arg8[%dma_wait3A_511, %dma_wait3A_519, %dma_wait3A_520] : memref<4x128x64xf32, #tpu.memory_space<vmem>> -> memref<1x128x64xf32, #tpu.memory_space<vmem>>
      %dma_wait3A_522 = tpu.memref_squeeze %dma_wait3A_521 : memref<1x128x64xf32, #tpu.memory_space<vmem>> -> memref<128x64xf32, #tpu.memory_space<vmem>>
      %dma_wait3A_523 = arith.constant 0 : i32
      %dma_wait3A_524 = arith.constant 0 : i32
      %dma_wait3A_525 = tpu.memref_slice %arg3[%dma_wait3A_523, %dma_wait3A_524] : memref<1000000x64xf32, #tpu.memory_space<hbm>> -> memref<128x64xf32, #tpu.memory_space<hbm>>
      tpu.wait_dma2 semaphore(%arg16 : memref<!tpu.dma_semaphore, #tpu.memory_space<semaphore_mem>>) src(%dma_wait3A_525 : memref<128x64xf32, #tpu.memory_space<hbm>>) dst(%dma_wait3A_522 : memref<128x64xf32, #tpu.memory_space<vmem>>)
      %get3A_526 = arith.index_cast %add3A_510 : i32 to index
      %get3A_527 = arith.constant 0 : index
      %get3A_528 = tpu.vector_load %arg7[%get3A_526, %get3A_527] {strides = array<i32>} : memref<200x64xf32, #tpu.memory_space<vmem>>, vector<16xf32>,
      %get3A_529 = arith.index_cast %add3A_510 : i32 to index
      %get3A_530 = arith.constant 16 : index
      %get3A_531 = tpu.vector_load %arg7[%get3A_529, %get3A_530] {strides = array<i32>} : memref<200x64xf32, #tpu.memory_space<vmem>>, vector<16xf32>,
      %get3A_532 = arith.index_cast %add3A_510 : i32 to index
      %get3A_533 = arith.constant 32 : index
      %get3A_534 = tpu.vector_load %arg7[%get3A_532, %get3A_533] {strides = array<i32>} : memref<200x64xf32, #tpu.memory_space<vmem>>, vector<16xf32>,
      %get3A_535 = arith.index_cast %add3A_510 : i32 to index
      %get3A_536 = arith.constant 48 : index
      %get3A_537 = tpu.vector_load %arg7[%get3A_535, %get3A_536] {strides = array<i32>} : memref<200x64xf32, #tpu.memory_space<vmem>>, vector<16xf32>,
      %parallel_loop3A_538 = arith.constant 0 : i32
      %parallel_loop3A_539 = arith.constant 128 : i32
      %parallel_loop3A_540 = arith.constant 1 : i32
      scf.for %parallel_loop3A_569 = %parallel_loop3A_538 to %parallel_loop3A_539 step %parallel_loop3A_540  : i32 {
        %parallel_loop3A_570 = vector.broadcast %parallel_loop3A_569 : i32 to vector<16xi32>
        %parallel_loop3A_571 = arith.constant 3 : i32
        %parallel_loop3A_572 = arith.index_cast %parallel_loop3A_571 : i32 to index
        %parallel_loop3A_573 = arith.index_cast %parallel_loop3A_569 : i32 to index
        %parallel_loop3A_574 = arith.constant 0 : index
        %parallel_loop3A_575 = tpu.vector_load %arg8[%parallel_loop3A_572, %parallel_loop3A_573, %parallel_loop3A_574] {strides = array<i32>} : memref<4x128x64xf32, #tpu.memory_space<vmem>>, vector<16xf32>,
        %parallel_loop3A_576 = arith.addf %parallel_loop3A_575, %get3A_528 : vector<16xf32>
        tpu.vector_store_idx %arg12[%select_n3A, %select_n3A_47, %parallel_loop3A_570], %parallel_loop3A_576 : memref<8x8x137xf32, #tpu.memory_space<vmem>>[vector<16xi32>, vector<16xi32>, vector<16xi32>], vector<16xf32>,
        %parallel_loop3A_577 = arith.constant 3 : i32
        %parallel_loop3A_578 = arith.index_cast %parallel_loop3A_577 : i32 to index
        %parallel_loop3A_579 = arith.index_cast %parallel_loop3A_569 : i32 to index
        %parallel_loop3A_580 = arith.constant 16 : index
        %parallel_loop3A_581 = tpu.vector_load %arg8[%parallel_loop3A_578, %parallel_loop3A_579, %parallel_loop3A_580] {strides = array<i32>} : memref<4x128x64xf32, #tpu.memory_space<vmem>>, vector<16xf32>,
        %parallel_loop3A_582 = arith.addf %parallel_loop3A_581, %get3A_531 : vector<16xf32>
        tpu.vector_store_idx %arg12[%select_n3A_81, %select_n3A_103, %parallel_loop3A_570], %parallel_loop3A_582 : memref<8x8x137xf32, #tpu.memory_space<vmem>>[vector<16xi32>, vector<16xi32>, vector<16xi32>], vector<16xf32>,
        %parallel_loop3A_583 = arith.constant 3 : i32
        %parallel_loop3A_584 = arith.index_cast %parallel_loop3A_583 : i32 to index
        %parallel_loop3A_585 = arith.index_cast %parallel_loop3A_569 : i32 to index
        %parallel_loop3A_586 = arith.constant 32 : index
        %parallel_loop3A_587 = tpu.vector_load %arg8[%parallel_loop3A_584, %parallel_loop3A_585, %parallel_loop3A_586] {strides = array<i32>} : memref<4x128x64xf32, #tpu.memory_space<vmem>>, vector<16xf32>,
        %parallel_loop3A_588 = arith.addf %parallel_loop3A_587, %get3A_534 : vector<16xf32>
        tpu.vector_store_idx %arg12[%select_n3A_137, %select_n3A_159, %parallel_loop3A_570], %parallel_loop3A_588 : memref<8x8x137xf32, #tpu.memory_space<vmem>>[vector<16xi32>, vector<16xi32>, vector<16xi32>], vector<16xf32>,
        %parallel_loop3A_589 = arith.constant 3 : i32
        %parallel_loop3A_590 = arith.index_cast %parallel_loop3A_589 : i32 to index
        %parallel_loop3A_591 = arith.index_cast %parallel_loop3A_569 : i32 to index
        %parallel_loop3A_592 = arith.constant 48 : index
        %parallel_loop3A_593 = tpu.vector_load %arg8[%parallel_loop3A_590, %parallel_loop3A_591, %parallel_loop3A_592] {strides = array<i32>} : memref<4x128x64xf32, #tpu.memory_space<vmem>>, vector<16xf32>,
        %parallel_loop3A_594 = arith.addf %parallel_loop3A_593, %get3A_537 : vector<16xf32>
        tpu.vector_store_idx %arg12[%select_n3A_193, %select_n3A_215, %parallel_loop3A_570], %parallel_loop3A_594 : memref<8x8x137xf32, #tpu.memory_space<vmem>>[vector<16xi32>, vector<16xi32>, vector<16xi32>], vector<16xf32>,
      } {sc.loop_unroll_factor = 4 : i64, sc.parallel_access}
      %dma_start3A_541 = arith.constant 0 : i32
      %dma_start3A_542 = arith.constant 0 : i32
      %dma_start3A_543 = arith.constant 0 : i32
      %dma_start3A_544 = tpu.memref_slice %arg12[%dma_start3A_541, %dma_start3A_542, %dma_start3A_543] : memref<8x8x137xf32, #tpu.memory_space<vmem>> -> memref<8x8x128xf32, #tpu.memory_space<vmem>>
      %dma_start3A_545 = arith.constant 0 : i32
      %dma_start3A_546 = arith.constant 0 : i32
      %dma_start3A_547 = arith.constant 0 : i32
      %dma_start3A_548 = tpu.memref_slice %arg5[%add3A_510, %dma_start3A_545, %add3A, %dma_start3A_546, %dma_start3A_547] : memref<200x8x32x8x128xf32, #tpu.memory_space<hbm>> -> memref<1x8x1x8x128xf32, #tpu.memory_space<hbm>>
      %dma_start3A_549 = tpu.memref_squeeze %dma_start3A_548 : memref<1x8x1x8x128xf32, #tpu.memory_space<hbm>> -> memref<8x8x128xf32, #tpu.memory_space<hbm>>
      %dma_start3A_550 = arith.constant 0 : i32
      %dma_start3A_551 = arith.constant 0 : i32
      %dma_start3A_552 = arith.constant 0 : i32
      %dma_start3A_553 = tpu.memref_slice %arg5[%add3A_510, %dma_start3A_550, %add3A, %dma_start3A_551, %dma_start3A_552] : memref<200x8x32x8x128xf32, #tpu.memory_space<hbm>> -> memref<1x8x1x8x128xf32, #tpu.memory_space<hbm>>
      %dma_start3A_554 = tpu.memref_squeeze %dma_start3A_553 : memref<1x8x1x8x128xf32, #tpu.memory_space<hbm>> -> memref<8x8x128xf32, #tpu.memory_space<hbm>>
      %dma_start3A_555 = arith.constant 0 : i32
      %dma_start3A_556 = arith.constant 0 : i32
      %dma_start3A_557 = arith.constant 0 : i32
      %dma_start3A_558 = tpu.memref_slice %arg12[%dma_start3A_555, %dma_start3A_556, %dma_start3A_557] : memref<8x8x137xf32, #tpu.memory_space<vmem>> -> memref<8x8x128xf32, #tpu.memory_space<vmem>>
      tpu.enqueue_dma source(%dma_start3A_558 : memref<8x8x128xf32, #tpu.memory_space<vmem>>) target(%dma_start3A_554 : memref<8x8x128xf32, #tpu.memory_space<hbm>>) target_semaphore(%arg20 : memref<!tpu.dma_semaphore, #tpu.memory_space<semaphore_mem>>)
      %add3A_559 = arith.constant 4 : i32
      %add3A_560 = arith.addi %add3A_510, %add3A_559 : i32
      %sub3A_561 = arith.constant 1 : i32
      %sub3A_562 = arith.subi %add3A_560, %sub3A_561 : i32
      %lt3A_563 = arith.constant 200 : i32
      %lt3A_564 = arith.cmpi slt, %sub3A_562, %lt3A_563 : i32
      %convert_element_type3A_565 = arith.extui %lt3A_564 : i1 to i32
      %cond3A_566 = arith.constant 0 : i32
      %cond3A_567 = arith.cmpi ne, %convert_element_type3A_565, %cond3A_566 : i32
      scf.if %cond3A_567 {
        %ge3A = arith.constant 4 : i32
        %ge3A_569 = arith.cmpi sge, %sub3A_562, %ge3A : i32
        %convert_element_type3A_570 = arith.extui %ge3A_569 : i1 to i32
        %cond3A_571 = arith.constant 0 : i32
        %cond3A_572 = arith.cmpi ne, %convert_element_type3A_570, %cond3A_571 : i32
        scf.if %cond3A_572 {
          %sub3A_584 = arith.constant 4 : i32
          %sub3A_585 = arith.subi %sub3A_562, %sub3A_584 : i32
          %dma_wait3A_586 = arith.constant 0 : i32
          %dma_wait3A_587 = arith.constant 0 : i32
          %dma_wait3A_588 = arith.constant 0 : i32
          %dma_wait3A_589 = tpu.memref_slice %arg11[%dma_wait3A_586, %dma_wait3A_587, %dma_wait3A_588] : memref<8x8x137xf32, #tpu.memory_space<vmem>> -> memref<8x8x128xf32, #tpu.memory_space<vmem>>
          %dma_wait3A_590 = arith.constant 0 : i32
          %dma_wait3A_591 = arith.constant 0 : i32
          %dma_wait3A_592 = arith.constant 0 : i32
          %dma_wait3A_593 = tpu.memref_slice %arg5[%sub3A_585, %dma_wait3A_590, %add3A, %dma_wait3A_591, %dma_wait3A_592] : memref<200x8x32x8x128xf32, #tpu.memory_space<hbm>> -> memref<1x8x1x8x128xf32, #tpu.memory_space<hbm>>
          %dma_wait3A_594 = tpu.memref_squeeze %dma_wait3A_593 : memref<1x8x1x8x128xf32, #tpu.memory_space<hbm>> -> memref<8x8x128xf32, #tpu.memory_space<hbm>>
          %dma_wait3A_595 = arith.constant 0 : i32
          %dma_wait3A_596 = arith.constant 0 : i32
          %dma_wait3A_597 = arith.constant 0 : i32
          %dma_wait3A_598 = tpu.memref_slice %arg5[%sub3A_585, %dma_wait3A_595, %add3A, %dma_wait3A_596, %dma_wait3A_597] : memref<200x8x32x8x128xf32, #tpu.memory_space<hbm>> -> memref<1x8x1x8x128xf32, #tpu.memory_space<hbm>>
          %dma_wait3A_599 = tpu.memref_squeeze %dma_wait3A_598 : memref<1x8x1x8x128xf32, #tpu.memory_space<hbm>> -> memref<8x8x128xf32, #tpu.memory_space<hbm>>
          %dma_wait3A_600 = arith.constant 0 : i32
          %dma_wait3A_601 = arith.constant 0 : i32
          %dma_wait3A_602 = arith.constant 0 : i32
          %dma_wait3A_603 = tpu.memref_slice %arg11[%dma_wait3A_600, %dma_wait3A_601, %dma_wait3A_602] : memref<8x8x137xf32, #tpu.memory_space<vmem>> -> memref<8x8x128xf32, #tpu.memory_space<vmem>>
          tpu.wait_dma2 semaphore(%arg19 : memref<!tpu.dma_semaphore, #tpu.memory_space<semaphore_mem>>) src(%dma_wait3A_603 : memref<8x8x128xf32, #tpu.memory_space<vmem>>) dst(%dma_wait3A_599 : memref<8x8x128xf32, #tpu.memory_space<hbm>>)
        } else {
        }
        %dma_start3A_573 = arith.constant 2 : i32
        %dma_start3A_574 = arith.constant 0 : i32
        %dma_start3A_575 = arith.constant 0 : i32
        %dma_start3A_576 = tpu.memref_slice %arg8[%dma_start3A_573, %dma_start3A_574, %dma_start3A_575] : memref<4x128x64xf32, #tpu.memory_space<vmem>> -> memref<1x128x64xf32, #tpu.memory_space<vmem>>
        %dma_start3A_577 = tpu.memref_squeeze %dma_start3A_576 : memref<1x128x64xf32, #tpu.memory_space<vmem>> -> memref<128x64xf32, #tpu.memory_space<vmem>>
        %dma_start3A_578 = arith.constant 0 : i32
        %dma_start3A_579 = tpu.memref_slice %arg6[%sub3A_562, %dma_start3A_578] : memref<200x128xi32, #tpu.memory_space<vmem>> -> memref<1x128xi32, #tpu.memory_space<vmem>>
        %dma_start3A_580 = tpu.memref_squeeze %dma_start3A_579 : memref<1x128xi32, #tpu.memory_space<vmem>> -> memref<128xi32, #tpu.memory_space<vmem>>
        %dma_start3A_581 = arith.constant 0 : i32
        %dma_start3A_582 = arith.constant 0 : i32
        %dma_start3A_583 = tpu.memref_slice %arg3[%dma_start3A_581, %dma_start3A_582] : memref<1000000x64xf32, #tpu.memory_space<hbm>> -> memref<1000000x64xf32, #tpu.memory_space<hbm>>
        tpu.enqueue_indirect_dma source(%dma_start3A_583 : memref<1000000x64xf32, #tpu.memory_space<hbm>>) target(%dma_start3A_577 : memref<128x64xf32, #tpu.memory_space<vmem>>) offsets(%dma_start3A_580 : memref<128xi32, #tpu.memory_space<vmem>>) semaphore(%arg15 : memref<!tpu.dma_semaphore, #tpu.memory_space<semaphore_mem>>)
      } else {
      }
      %scan3A_568 = arith.constant 0 : i32
      scf.yield %scan3A_568 : i32
    }
    %scan3A_256 = arith.constant 50 : i32
    %dma_wait3A = arith.constant 196 : i32
    %dma_wait3A_257 = arith.constant 0 : i32
    %dma_wait3A_258 = arith.constant 0 : i32
    %dma_wait3A_259 = arith.constant 0 : i32
    %dma_wait3A_260 = tpu.memref_slice %arg9[%dma_wait3A_257, %dma_wait3A_258, %dma_wait3A_259] : memref<8x8x137xf32, #tpu.memory_space<vmem>> -> memref<8x8x128xf32, #tpu.memory_space<vmem>>
    %dma_wait3A_261 = arith.constant 0 : i32
    %dma_wait3A_262 = arith.constant 0 : i32
    %dma_wait3A_263 = arith.constant 0 : i32
    %dma_wait3A_264 = tpu.memref_slice %arg5[%dma_wait3A, %dma_wait3A_261, %add3A, %dma_wait3A_262, %dma_wait3A_263] : memref<200x8x32x8x128xf32, #tpu.memory_space<hbm>> -> memref<1x8x1x8x128xf32, #tpu.memory_space<hbm>>
    %dma_wait3A_265 = tpu.memref_squeeze %dma_wait3A_264 : memref<1x8x1x8x128xf32, #tpu.memory_space<hbm>> -> memref<8x8x128xf32, #tpu.memory_space<hbm>>
    %dma_wait3A_266 = arith.constant 0 : i32
    %dma_wait3A_267 = arith.constant 0 : i32
    %dma_wait3A_268 = arith.constant 0 : i32
    %dma_wait3A_269 = tpu.memref_slice %arg5[%dma_wait3A, %dma_wait3A_266, %add3A, %dma_wait3A_267, %dma_wait3A_268] : memref<200x8x32x8x128xf32, #tpu.memory_space<hbm>> -> memref<1x8x1x8x128xf32, #tpu.memory_space<hbm>>
    %dma_wait3A_270 = tpu.memref_squeeze %dma_wait3A_269 : memref<1x8x1x8x128xf32, #tpu.memory_space<hbm>> -> memref<8x8x128xf32, #tpu.memory_space<hbm>>
    %dma_wait3A_271 = arith.constant 0 : i32
    %dma_wait3A_272 = arith.constant 0 : i32
    %dma_wait3A_273 = arith.constant 0 : i32
    %dma_wait3A_274 = tpu.memref_slice %arg9[%dma_wait3A_271, %dma_wait3A_272, %dma_wait3A_273] : memref<8x8x137xf32, #tpu.memory_space<vmem>> -> memref<8x8x128xf32, #tpu.memory_space<vmem>>
    tpu.wait_dma2 semaphore(%arg17 : memref<!tpu.dma_semaphore, #tpu.memory_space<semaphore_mem>>) src(%dma_wait3A_274 : memref<8x8x128xf32, #tpu.memory_space<vmem>>) dst(%dma_wait3A_270 : memref<8x8x128xf32, #tpu.memory_space<hbm>>)
    %dma_wait3A_275 = arith.constant 197 : i32
    %dma_wait3A_276 = arith.constant 0 : i32
    %dma_wait3A_277 = arith.constant 0 : i32
    %dma_wait3A_278 = arith.constant 0 : i32
    %dma_wait3A_279 = tpu.memref_slice %arg10[%dma_wait3A_276, %dma_wait3A_277, %dma_wait3A_278] : memref<8x8x137xf32, #tpu.memory_space<vmem>> -> memref<8x8x128xf32, #tpu.memory_space<vmem>>
    %dma_wait3A_280 = arith.constant 0 : i32
    %dma_wait3A_281 = arith.constant 0 : i32
    %dma_wait3A_282 = arith.constant 0 : i32
    %dma_wait3A_283 = tpu.memref_slice %arg5[%dma_wait3A_275, %dma_wait3A_280, %add3A, %dma_wait3A_281, %dma_wait3A_282] : memref<200x8x32x8x128xf32, #tpu.memory_space<hbm>> -> memref<1x8x1x8x128xf32, #tpu.memory_space<hbm>>
    %dma_wait3A_284 = tpu.memref_squeeze %dma_wait3A_283 : memref<1x8x1x8x128xf32, #tpu.memory_space<hbm>> -> memref<8x8x128xf32, #tpu.memory_space<hbm>>
    %dma_wait3A_285 = arith.constant 0 : i32
    %dma_wait3A_286 = arith.constant 0 : i32
    %dma_wait3A_287 = arith.constant 0 : i32
    %dma_wait3A_288 = tpu.memref_slice %arg5[%dma_wait3A_275, %dma_wait3A_285, %add3A, %dma_wait3A_286, %dma_wait3A_287] : memref<200x8x32x8x128xf32, #tpu.memory_space<hbm>> -> memref<1x8x1x8x128xf32, #tpu.memory_space<hbm>>
    %dma_wait3A_289 = tpu.memref_squeeze %dma_wait3A_288 : memref<1x8x1x8x128xf32, #tpu.memory_space<hbm>> -> memref<8x8x128xf32, #tpu.memory_space<hbm>>
    %dma_wait3A_290 = arith.constant 0 : i32
    %dma_wait3A_291 = arith.constant 0 : i32
    %dma_wait3A_292 = arith.constant 0 : i32
    %dma_wait3A_293 = tpu.memref_slice %arg10[%dma_wait3A_290, %dma_wait3A_291, %dma_wait3A_292] : memref<8x8x137xf32, #tpu.memory_space<vmem>> -> memref<8x8x128xf32, #tpu.memory_space<vmem>>
    tpu.wait_dma2 semaphore(%arg18 : memref<!tpu.dma_semaphore, #tpu.memory_space<semaphore_mem>>) src(%dma_wait3A_293 : memref<8x8x128xf32, #tpu.memory_space<vmem>>) dst(%dma_wait3A_289 : memref<8x8x128xf32, #tpu.memory_space<hbm>>)
    %dma_wait3A_294 = arith.constant 198 : i32
    %dma_wait3A_295 = arith.constant 0 : i32
    %dma_wait3A_296 = arith.constant 0 : i32
    %dma_wait3A_297 = arith.constant 0 : i32
    %dma_wait3A_298 = tpu.memref_slice %arg11[%dma_wait3A_295, %dma_wait3A_296, %dma_wait3A_297] : memref<8x8x137xf32, #tpu.memory_space<vmem>> -> memref<8x8x128xf32, #tpu.memory_space<vmem>>
    %dma_wait3A_299 = arith.constant 0 : i32
    %dma_wait3A_300 = arith.constant 0 : i32
    %dma_wait3A_301 = arith.constant 0 : i32
    %dma_wait3A_302 = tpu.memref_slice %arg5[%dma_wait3A_294, %dma_wait3A_299, %add3A, %dma_wait3A_300, %dma_wait3A_301] : memref<200x8x32x8x128xf32, #tpu.memory_space<hbm>> -> memref<1x8x1x8x128xf32, #tpu.memory_space<hbm>>
    %dma_wait3A_303 = tpu.memref_squeeze %dma_wait3A_302 : memref<1x8x1x8x128xf32, #tpu.memory_space<hbm>> -> memref<8x8x128xf32, #tpu.memory_space<hbm>>
    %dma_wait3A_304 = arith.constant 0 : i32
    %dma_wait3A_305 = arith.constant 0 : i32
    %dma_wait3A_306 = arith.constant 0 : i32
    %dma_wait3A_307 = tpu.memref_slice %arg5[%dma_wait3A_294, %dma_wait3A_304, %add3A, %dma_wait3A_305, %dma_wait3A_306] : memref<200x8x32x8x128xf32, #tpu.memory_space<hbm>> -> memref<1x8x1x8x128xf32, #tpu.memory_space<hbm>>
    %dma_wait3A_308 = tpu.memref_squeeze %dma_wait3A_307 : memref<1x8x1x8x128xf32, #tpu.memory_space<hbm>> -> memref<8x8x128xf32, #tpu.memory_space<hbm>>
    %dma_wait3A_309 = arith.constant 0 : i32
    %dma_wait3A_310 = arith.constant 0 : i32
    %dma_wait3A_311 = arith.constant 0 : i32
    %dma_wait3A_312 = tpu.memref_slice %arg11[%dma_wait3A_309, %dma_wait3A_310, %dma_wait3A_311] : memref<8x8x137xf32, #tpu.memory_space<vmem>> -> memref<8x8x128xf32, #tpu.memory_space<vmem>>
    tpu.wait_dma2 semaphore(%arg19 : memref<!tpu.dma_semaphore, #tpu.memory_space<semaphore_mem>>) src(%dma_wait3A_312 : memref<8x8x128xf32, #tpu.memory_space<vmem>>) dst(%dma_wait3A_308 : memref<8x8x128xf32, #tpu.memory_space<hbm>>)
    %dma_wait3A_313 = arith.constant 199 : i32
    %dma_wait3A_314 = arith.constant 0 : i32
    %dma_wait3A_315 = arith.constant 0 : i32
    %dma_wait3A_316 = arith.constant 0 : i32
    %dma_wait3A_317 = tpu.memref_slice %arg12[%dma_wait3A_314, %dma_wait3A_315, %dma_wait3A_316] : memref<8x8x137xf32, #tpu.memory_space<vmem>> -> memref<8x8x128xf32, #tpu.memory_space<vmem>>
    %dma_wait3A_318 = arith.constant 0 : i32
    %dma_wait3A_319 = arith.constant 0 : i32
    %dma_wait3A_320 = arith.constant 0 : i32
    %dma_wait3A_321 = tpu.memref_slice %arg5[%dma_wait3A_313, %dma_wait3A_318, %add3A, %dma_wait3A_319, %dma_wait3A_320] : memref<200x8x32x8x128xf32, #tpu.memory_space<hbm>> -> memref<1x8x1x8x128xf32, #tpu.memory_space<hbm>>
    %dma_wait3A_322 = tpu.memref_squeeze %dma_wait3A_321 : memref<1x8x1x8x128xf32, #tpu.memory_space<hbm>> -> memref<8x8x128xf32, #tpu.memory_space<hbm>>
    %dma_wait3A_323 = arith.constant 0 : i32
    %dma_wait3A_324 = arith.constant 0 : i32
    %dma_wait3A_325 = arith.constant 0 : i32
    %dma_wait3A_326 = tpu.memref_slice %arg5[%dma_wait3A_313, %dma_wait3A_323, %add3A, %dma_wait3A_324, %dma_wait3A_325] : memref<200x8x32x8x128xf32, #tpu.memory_space<hbm>> -> memref<1x8x1x8x128xf32, #tpu.memory_space<hbm>>
    %dma_wait3A_327 = tpu.memref_squeeze %dma_wait3A_326 : memref<1x8x1x8x128xf32, #tpu.memory_space<hbm>> -> memref<8x8x128xf32, #tpu.memory_space<hbm>>
    %dma_wait3A_328 = arith.constant 0 : i32
    %dma_wait3A_329 = arith.constant 0 : i32
    %dma_wait3A_330 = arith.constant 0 : i32
    %dma_wait3A_331 = tpu.memref_slice %arg12[%dma_wait3A_328, %dma_wait3A_329, %dma_wait3A_330] : memref<8x8x137xf32, #tpu.memory_space<vmem>> -> memref<8x8x128xf32, #tpu.memory_space<vmem>>
    tpu.wait_dma2 semaphore(%arg20 : memref<!tpu.dma_semaphore, #tpu.memory_space<semaphore_mem>>) src(%dma_wait3A_331 : memref<8x8x128xf32, #tpu.memory_space<vmem>>) dst(%dma_wait3A_327 : memref<8x8x128xf32, #tpu.memory_space<hbm>>)
    return
  }
}

</mosaic_0001>

<sc_bundles>
// kernel: kernel.3.cloned.1.call-start
scs
__scs_entry_jumppad:
0x0: {  	(pc) =	sbr.rel $0x88, $3  }
0x1: {  	(tag) =	ssettag $0x0;
	lr =	simm.s32 $0x1  }
0x2: {  	[smem:$0x3F9E] =	sst lr;
	_ =	strace $0xD0000000  }
0x3: {  	_ = 	snop  }
0x4: {  	_ = 	snop  }
0x5: {  	_ = 	snop  }
0x6: {  	_ = 	snop  }
0x7: {  	_ = 	snop  }
__scs_overlays_trampoline_lowered:
0x8: {  	[smem:$0x3FAD] =	sst s0  }
0x9: {  	[smem:$0x3FAE] =	sst s1  }
0xa: {  	[smem:$0x3FAF] =	sst s2  }
0xb: {  	[smem:$0x3FB0] =	sst s3  }
0xc: {  	[smem:$0x3FB1] =	sst s4  }
0xd: {  	[smem:$0x3FB2] =	sst s5  }
0xe: {  	[smem:$0x3FB3] =	sst s6  }
0xf: {  	[smem:$0x3FB4] =	sst s7  }
0x10: {  	[smem:$0x3FB5] =	sst s8  }
0x11: {  	[smem:$0x3FB6] =	sst s9;
	s0 =	simm.s32 @!p0 $0x0  }
0x12: {  	s1 =	sld [smem:$0x3F9C];
	s0 =	simm.s32 @p0 $0x1  }
0x13: {  	[smem:$0x3FB7] =	sst s0;
	s0 =	simm.s32 @!p1 $0x0  }
0x14: {  	s2 =	sld [smem:$0x3F9B];
	s0 =	simm.s32 @p1 $0x1  }
0x15: {  	[smem:$0x3FB8] =	sst s0;
	s0 =	simm.s32 @!p2 $0x0  }
0x16: {  	s3 =	sld [smem:$0x3FDB];
	s0 =	simm.s32 @p2 $0x1  }
0x17: {  	s4 =	simm.s32 $0x1BF5;
	[smem:$0x3FBA] =	sst s0  }
0x18: {  	s0 =	sld [smem:$0x3F9D];
	_ =	swait.ge [sflag:s4], $0x0  }
0x19: {  	s7 =	sld [smem:$0x3F9E]  }
0x1a: {  	s8 =	sadd.s32 $0xFFFFE003, lr  }
0x1b: {  	s9 =	sadd.s32 $0xFFFFFEF7, lr;
	s5 =	simm.s32 $0xFFFFFFFF;
	p2 =	slt.u32 s8, $0xFFFFF086  }
0x1c: {  	p1 =	slt.u32 s9, $0xF7A;
	s5 =	simm.s32 @!p2 $0x0  }
0x1d: {  	s5 =	simm.s32 @p1 $0x1;
	p0 =	seq.s32 s7, s2  }
0x1e: {  	s7 =	smul.u32 @!p0 $0xF7A, s2;
	p2 =	seq.s32 @!p0 s5, $0x0  }
0x1f: {  	s9 =	smul.u32 $0xF7A, s1;
	s8 =	simm.s32 @!p0 $0x1BF5;
	p2 =	por !p2, p0  }
0x20: {  	[sflag:s8] =	ssyncset.s32 @!p0 $0xFFFFF086;
	s6 =	sadd.s32 @!p0 s3, s7;
	s7 =	simm.s32 @!p0 $0x108  }
0x21: {  	s3 =	sadd.s32 s3, s9;
	s6 =	sadd.s32 @!p0 $0x88, s6;
	s7 =	simm.s32 @p2 $0x1082  }
0x22: {  	[simem:s7], [sflag:s8] =	dma.local @!p0 [hbm:s6], $0xF7A  }
0x23: {  	s9 =	sor.u32 $0xD0000000, s2;
	s6 =	simm.s32 $0x108;
	_ =	swait.ge @!p0 [sflag:s8], $0x0  }
0x24: {  	s3 =	sadd.s32 $0x88, s3;
	s6 =	simm.s32 @!p1 $0x1082;
	[sflag:s4] =	ssyncset.s32 $0xFFFFF086  }
0x25: {  	[simem:s6], [sflag:s4] =	dma.local [hbm:s3], $0xF7A  }
0x26: {  	[smem:$0x3F9E] =	sst s1;
	(tag) =	ssettag s2;
	_ =	strace s9  }
0x27: {  	s1 =	sld [smem:$0x3FAE]  }
0x28: {  	s2 =	sld [smem:$0x3FAF]  }
0x29: {  	s4 =	sld [smem:$0x3FB1]  }
0x2a: {  	p0 =	seq.s32 s5, $0x0;
	s5 =	sld [smem:$0x3FB2]  }
0x2b: {  	s6 =	sld [smem:$0x3FB3]  }
0x2c: {  	s7 =	sld [smem:$0x3FB4]  }
0x2d: {  	s3 =	simm.s32 $0x108;
	s8 =	sld [smem:$0x3FB5]  }
0x2e: {  	s3 =	simm.s32 @!p0 $0x1082;
	s9 =	sld [smem:$0x3FB6]  }
0x2f: {  	lr =	sadd.s32 s0, s3;
	s0 =	sld [smem:$0x3FAD]  }
0x30: {  	s3 =	sld [smem:$0x3FB0]  }
0x31: {  	[smem:$0x3FB9] =	sst s10  }
0x32: {  	s10 =	sld [smem:$0x3FB7];
	_ =	sdelay $0x3  }
0x33: {  	p0 =	seq.s32 s10, $0x1;
	s10 =	sld [smem:$0x3FB9];
	_ =	sdelay $0x3  }
0x34: {  	[smem:$0x3FB9] =	sst s10  }
0x35: {  	s10 =	sld [smem:$0x3FB8];
	_ =	sdelay $0x3  }
0x36: {  	p1 =	seq.s32 s10, $0x1;
	s10 =	sld [smem:$0x3FB9];
	_ =	sdelay $0x3  }
0x37: {  	[smem:$0x3FB9] =	sst s10  }
0x38: {  	s10 =	sld [smem:$0x3FBA]  }
0x39: {  	_ = 	snop;
	(pc) =	sbr.ind lr, $3  }
0x3a: {  	_ = 	snop  }
0x3b: {  	_ = 	snop  }
0x3c: {  	p2 =	seq.s32 s10, $0x1;
	s10 =	sld [smem:$0x3FB9]  }
0x3d: {  	_ =	shalt  }
0x3e: {  	_ =	shalt  }
0x3f: {  	_ =	shalt  }
0x40: {  	_ =	shalt  }
0x41: {  	_ =	shalt  }
0x42: {  	_ =	shalt  }
0x43: {  	_ =	shalt  }
0x44: {  	_ =	shalt  }
0x45: {  	_ =	shalt  }
0x46: {  	_ =	shalt  }
0x47: {  	_ =	shalt  }
0x48: {  	_ =	shalt  }
0x49: {  	_ =	shalt  }
0x4a: {  	_ =	shalt  }
0x4b: {  	_ =	shalt  }
0x4c: {  	_ =	shalt  }
0x4d: {  	_ =	shalt  }
0x4e: {  	_ =	shalt  }
0x4f: {  	_ =	shalt  }
0x50: {  	_ =	shalt  }
0x51: {  	_ =	shalt  }
0x52: {  	_ =	shalt  }
0x53: {  	_ =	shalt  }
0x54: {  	_ =	shalt  }
0x55: {  	_ =	shalt  }
0x56: {  	_ =	shalt  }
0x57: {  	_ =	shalt  }
0x58: {  	_ =	shalt  }
0x59: {  	_ =	shalt  }
0x5a: {  	_ =	shalt  }
0x5b: {  	_ =	shalt  }
0x5c: {  	_ =	shalt  }
0x5d: {  	_ =	shalt  }
0x5e: {  	_ =	shalt  }
0x5f: {  	_ =	shalt  }
0x60: {  	_ =	shalt  }
0x61: {  	_ =	shalt  }
0x62: {  	_ =	shalt  }
0x63: {  	_ =	shalt  }
0x64: {  	_ =	shalt  }
0x65: {  	_ =	shalt  }
0x66: {  	_ =	shalt  }
0x67: {  	_ =	shalt  }
0x68: {  	_ =	shalt  }
0x69: {  	_ =	shalt  }
0x6a: {  	_ =	shalt  }
0x6b: {  	_ =	shalt  }
0x6c: {  	_ =	shalt  }
0x6d: {  	_ =	shalt  }
0x6e: {  	_ =	shalt  }
0x6f: {  	_ =	shalt  }
0x70: {  	_ =	shalt  }
0x71: {  	_ =	shalt  }
0x72: {  	_ =	shalt  }
0x73: {  	_ =	shalt  }
0x74: {  	_ =	shalt  }
0x75: {  	_ =	shalt  }
0x76: {  	_ =	shalt  }
0x77: {  	_ =	shalt  }
0x78: {  	_ =	shalt  }
0x79: {  	_ =	shalt  }
0x7a: {  	_ =	shalt  }
0x7b: {  	_ =	shalt  }
0x7c: {  	_ =	shalt  }
0x7d: {  	_ =	shalt  }
0x7e: {  	_ =	shalt  }
0x7f: {  	_ =	shalt  }
0x80: {  	_ =	shalt  }
0x81: {  	_ =	shalt  }
0x82: {  	_ =	shalt  }
0x83: {  	_ =	shalt  }
0x84: {  	_ =	shalt  }
0x85: {  	_ =	shalt  }
0x86: {  	_ =	shalt  }
0x87: {  	_ =	shalt  }
.Lfunc_end0:
.L_simem_size_0:
called_computation_lowered:
.L_overlay_start_0:
0x88: {  	s2 =	sld [smem:$0x3FD9]  }
0x89: {  	s3 =	sld [smem:$0x3FFE];
	_ =	sdelay $0x1  }
0x8a: {  	s1 =	srdreg.scid  }
0x8b: {  	s0 =	sand.u32 $0x1, s1  }
0x8c: {  	s17 =	sshll.u32 s0, $0xA;
	s2 =	sadd.s32 s3, s2  }
0x8d: {  	s2 =	sadd.s32 s2, s17  }
0x8e: {  	[smem:$0x3FC5] =	sst s2  }
0x8f: {  	_ = 	snop  }
0x90: {  	s2 =	sld [smem:$0x3FD0];
	(tm) =	ssettm $0x1  }
0x91: {  	s18 =	sld [smem:$0x3FFB];
	_ =	sdelay $0x3  }
0x92: {  	_ =	strace s18  }
0x93: {  	s3 =	sld [smem:$0x3FFC];
	_ =	sdelay $0x3  }
0x94: {  	_ =	strace s3  }
0x95: {  	s3 =	sld [smem:$0x3FFD];
	_ =	sdelay $0x3  }
0x96: {  	_ =	strace s3  }
0x97: {  	_ =	strace $0x8FFFFFFF  }
0x98: {  	s19 =	sld [smem:$0x3FDB];
	_ =	sdelay $0x1  }
0x99: {  	s4 =	simm.s32 $_scs_section_size  }
0x9a: {  	s5 =	simm.s32 $_size__tile_overlayer_lowered;
	s6 =	simm.s32 $_tile_overlayer_lowered  }
0x9b: {  	s22 =	simm.s32 $0x1BFF;
	s21 =	sshll.u32 s6, $0x1;
	s3 =	sadd.s32 s4, s19  }
0x9c: {  	s7 =	simm.s32 $0x0;
	s20 =	sshll.u32 s5, $0x1;
	s5 =	sadd.s32 s21, s3  }
0x9d: {  	[timem:s7], [sflag:s22] =	dma.local [hbm:s5], s20  }
0x9e: {  	_ =	swait.ge [sflag:s22], s20  }
0x9f: {  	s4 =	ssub.s32 $0x0, s20;
	[sflag:s22] =	ssyncset.done $0x0  }
0xa0: {  	[sflag:s22] =	ssyncadd.s32 s4;
	_ =	sdelay $0x1  }
0xa1: {  	s23 =	simm.s32 $0x1B8B  }
0xa2: {  	_ =	swait.ge [sflag:s23], $0x1  }
0xa3: {  	[sflag:s23] =	ssyncset.done $0x0  }
0xa4: {  	s25 =	simm.s32 $0x1B8E;
	s24 =	sld [smem:$0x3FFE];
	[sflag:s23] =	ssyncadd.s32 $0xFFFFFFFF  }
0xa5: {  	s26 =	simm.s32 $execute0_lowered;
	[smem:$0x3FD2] =	sst s25  }
0xa6: {  	s5 =	sshll.u32 s26, $0x1;
	_ =	strace $0x80000046;
	[dreg:$0x1] =	wrdreg $0xFFFFFFFF  }
0xa7: {  	s28 =	simm.s32 $_size_execute0_lowered;
	s3 =	sadd.s32 s3, s5;
	[dreg:$0x0] =	wrdreg $0x0  }
0xa8: {  	s5 =	sshll.u32 s28, $0x1;
	[dreg:$0x2] =	wrdreg s3  }
0xa9: {  	[dreg:$0x3] =	wrdreg s5  }
0xaa: {  	[dreg:$0x4] =	wrdreg $0xC0  }
0xab: {  	_ =	task [dreg:s7], $0x5FFFF  }
0xac: {  	[dreg:$0x1] =	wrdreg $0xFFFFFFFF  }
0xad: {  	[dreg:$0x0] =	wrdreg $0x60  }
0xae: {  	[dreg:$0x2] =	wrdreg s24  }
0xaf: {  	[dreg:$0x3] =	wrdreg s2  }
0xb0: {  	[dreg:$0x4] =	wrdreg $0x9  }
0xb1: {  	_ =	task.clear_ibuf [dreg:s7], $0x5FFFF;
	_ =	strace $0x90000046  }
0xb2: {  	s29 =	simm.s32 $0x9;
	_ =	strace $0x80000048  }
0xb3: {  	_ =	swait.ge [sflag:s29], $0x1  }
0xb4: {  	[sflag:s29] =	ssyncadd.s32 $0xFFFFFFFF  }
0xb5: {  	_ =	strace $0x90000048  }
0xb6: {  	_ =	sfence  }
0xb7: {  	s30 =	sld [smem:$0x0];
	_ =	sdelay $0x2  }
0xb8: {  	s31 =	sshll.u32 s1, $0xD;
	s1 =	sshrl.u32 s1, $0x2  }
0xb9: {  	s3 =	sand.u32 $0x4000, s31;
	s1 =	sadd.s32 s1, s30  }
0xba: {  	s0 =	sor.u32 s3, s0;
	s1 =	sshll.u32 s1, $0x11  }
0xbb: {  	s0 =	sor.u32 s1, s0  }
0xbc: {  	s0 =	sadd.s32 $0x8F2B, s0  }
0xbd: {  	[sflag:s0] =	ssyncadd.remote.s32 $0x1  }
0xbe: {  	_ =	sfence.sel $0xFFFF  }
0xbf: {  	[dreg:$0x0] =	wrdreg $0xFFFFFFFF;
	(pc) =	sbr.abs _section_cstart, $3  }
0xc0: {  	[dreg:$0x1] =	wrdreg $0xFFFFFFFF  }
0xc1: {  	_ =	task.clear_ibuf [dreg:s7], $0x2FFFF;
	_ =	strace $0x9FFFFFFF  }
0xc2: {  	(tm) =	ssettm $0x7FFFFFFF  }
0xc3: {  	_ =	shalt  }
tec
execute0_lowered:
.L_overlay_start_1:
0x0: {  	(tag) =	ssettag $0x1  }
0x1: {  	s0 =	rddreg [dreg:$0x0]  }
0x2: {  	s2 =	rddreg [dreg:$0x1]  }
0x3: {  	s1 =	srdreg.scid;
	s4 =	stileid.u32;
	s3 =	simm.s32 $0x0  }
0x4: {  	s9 =	simm.s32 $0x80;
	s11 =	simm.s32 $0x9;
	s16 =	simm.s32 $0xD600  }
0x5: {  	s17 =	simm.s32 $0x1;
	s18 =	simm.s32 $0x11600;
	s19 =	simm.s32 $0xF600  }
0x6: {  	s20 =	simm.s32 $0x2;
	s21 =	simm.s32 $0x13A00;
	s22 =	simm.s32 $0x3  }
0x7: {  	s23 =	simm.s32 $0x15E00;
	s24 =	simm.s32 $0x4;
	s28 =	simm.s32 $0x6  }
0x8: {  	s29 =	simm.s32 $0x7;
	s30 =	simm.s32 $0x8;
	s31 =	simm.s32 $0x0  }
0x9: {  	s1 =	sand.u32 $0x1, s1;
	s4 =	sshll.u32 s4, $0x1;
	[smem:$0x7FF] =	sst s3  }
0xa: {  	s5 =	sor.u32 s1, s4;
	_ =	strace $0x80000047;
	s1 =	ssub.s32 $0x2, s1  }
.Ltmp0:
0xb: {  	s4 =	sshll.u32 s5, $0x4;
	s7 =	sshrl.u32 s1, $0x1;
	(pc) =	sbr.rel .LBB2_1-.Ltmp0, $4  }
0xc: {  	v0 =	vlaneseq.u32;
	s6 =	sadd.s32 s4, s0;
	s4 =	sadd.s32 $0xF42E00, s0;
	s0 =	sadd.s32 $0x19A00, s0  }
0xd: {  	v0 =	vmul.u32 $0x90, v0;
	s25 =	ssub.s32 s1, s7;
	[dreg:$0x3] =	wrdreg s0;
	s26 =	sadd.s32 $0xA00, s6  }
0xe: {  	s7 =	sshll.u32 s5, $0xA;
	s0 =	smax.u32 s25, $0x1;
	[dreg:$0x4] =	wrdreg s26  }
0xf: {  	v1 =	vadd.s32 $0x900, v0;
	v2 =	vadd.s32 $0x1200, v0;
	v3 =	vadd.s32 $0x1B00, v0;
	s25 =	simm.s32 $0x18200;
	[dreg:$0x5] =	wrdreg s0;
	s26 =	simm.s32 $0x5  }
.LBB2_20:
0x10: {  	_ =	swait.ge [sflag:s26], $0x2000  }
0x11: {  	[sflag:s26] =	ssyncset.done $0x0  }
0x12: {  	[sflag:s26] =	ssyncadd.s32 $0xFFFFE000  }
0x13: {  	_ =	swait.ge [sflag:s28], $0x2000  }
0x14: {  	[sflag:s28] =	ssyncset.done $0x0  }
0x15: {  	[sflag:s28] =	ssyncadd.s32 $0xFFFFE000  }
0x16: {  	_ =	swait.ge [sflag:s29], $0x2000  }
0x17: {  	[sflag:s29] =	ssyncset.done $0x0  }
0x18: {  	[sflag:s29] =	ssyncadd.s32 $0xFFFFE000  }
0x19: {  	_ =	swait.ge [sflag:s30], $0x2000  }
0x1a: {  	s31 =	sadd.s32 $0x1, s31;
	s0 =	rddreg [dreg:$0x5]  }
0x1b: {  	p0 =	sne.s32 s31, s0  }
.Ltmp1:
0x1c: {  	_ = 	snop;
	(pc) =	sbr.rel @!p0 .LBB2_21-.Ltmp1, $3  }
0x1d: {  	_ =	sdelay $0x1  }
0x1e: {  	[sflag:s30] =	ssyncset.done $0x0  }
0x1f: {  	[sflag:s30] =	ssyncadd.s32 $0xFFFFE000  }
.LBB2_1:
0x20: {  	s0 =	rddreg [dreg:$0x4];
	s1 =	simm.s32 $0x1000  }
0x21: {  	[tilespmem:s3], [sflag:$0x9] =	stream.strided.gather [hbm4b:s0+s9], $0x6400, s1, s9, $0x38;
	[tilespmem:$0x1A600] =	vst v63  }
0x22: {  	_ =	swait.ge [sflag:s11], $0x6400  }
0x23: {  	[sflag:s11] =	ssyncset.done $0x0  }
0x24: {  	s12 =	simm.s32 $0x6400;
	s10 =	rddreg [dreg:$0x3];
	[sflag:s11] =	ssyncadd.s32 $0xFFFF9C00  }
0x25: {  	[tilespmem:s12], [sflag:$0x9] =	stream.linear.gather [hbm4b:s10+s3], $0x3200, $0x38;
	[tilespmem:$0x1A600] =	vst v63  }
0x26: {  	_ =	swait.ge [sflag:s11], $0x3200  }
0x27: {  	[sflag:s11] =	ssyncset.done $0x0  }
0x28: {  	s13 =	simm.s32 $0x9600;
	[sflag:s11] =	ssyncadd.s32 $0xFFFFCE00  }
0x29: {  	[tilespmem:s13], [sflag:$0x1] =	stream.indirect.gather [hbm4b:s4+s9], $0x40, s3, s9, $0xb8;
	[tilespmem:$0x1A600] =	vst v63  }
0x2a: {  	s14 =	simm.s32 $0xB600  }
0x2b: {  	[tilespmem:s14], [sflag:$0x2] =	stream.indirect.gather [hbm4b:s4+s9], $0x40, s9, s9, $0xb8;
	[tilespmem:$0x1A600] =	vst v63  }
0x2c: {  	s15 =	simm.s32 $0x100;
	s0 =	simm.s32 $0x0  }
0x2d: {  	[tilespmem:s16], [sflag:$0x3] =	stream.indirect.gather [hbm4b:s4+s9], $0x40, s15, s9, $0xb8;
	[tilespmem:$0x1A600] =	vst v63  }
.LBB2_2:
0x2e: {  	_ =	swait.ge [sflag:s17], $0x2000  }
0x2f: {  	s1 =	sshll.u32 s0, $0x8;
	[sflag:s17] =	ssyncset.done $0x0  }
0x30: {  	s1 =	sand.u32 $0x3FFFFF00, s1;
	[sflag:s17] =	ssyncadd.s32 $0xFFFFE000  }
0x31: {  	s13 =	simm.s32 $0x9680;
	s5 =	simm.s32 $0x3;
	v9 =	vld [tilespmem:s1+$0x6400]  }
0x32: {  	v4 =	vmov s5;
	v7 =	vld [tilespmem:s13+$0x40]  }
0x33: {  	v13 =	vand.u32 $0x7F, v4  }
0x34: {  	s14 =	simm.s32 $0x0;
	v6 =	vld [tilespmem:s1+$0x6410];
	v8 =	vadd.s32 v0, v13  }
0x35: {  	s15 =	simm.s32 $0x1;
	s10 =	simm.s32 $0x2;
	v4 =	vmov s14;
	v10 =	vld [tilespmem:s13+$0xFFFFFF80]  }
0x36: {  	v14 =	vmov s10;
	v12 =	vand.u32 $0x7C, v4;
	v4 =	vmov s15;
	v11 =	vld [tilespmem:s13+$0xFFFFFFC0]  }
0x37: {  	v16 =	vld [tilespmem:s13+$0x0];
	v15 =	vadd.s32 v0, v12;
	v19 =	vand.u32 $0x7D, v4;
	v7 =	vadd.f32 v7, v9  }
0x38: {  	v20 =	vand.u32 $0x7E, v14;
	v5 =	vld [tilespmem:s1+$0x6420];
	v17 =	vadd.s32 v0, v19  }
0x39: {  	v14 =	vadd.s32 v0, v20;
	v4 =	vld [tilespmem:s1+$0x6430];
	[tilespmem:v8+s18+$0x0] =	vst.idx.msk $0xffff, v7  }
0x3a: {  	v7 =	vadd.f32 v10, v9;
	v8 =	vld [tilespmem:s13+$0x50]  }
0x3b: {  	v10 =	vadd.f32 v11, v9  }
0x3c: {  	v11 =	vadd.s32 v1, v13;
	[tilespmem:v15+s18+$0x0] =	vst.idx.msk $0xffff, v7;
	v7 =	vadd.f32 v16, v9  }
0x3d: {  	[tilespmem:v17+s18+$0x0] =	vst.idx.msk $0xffff, v10;
	v15 =	vld [tilespmem:s13+$0xFFFFFF90]  }
0x3e: {  	v10 =	vld [tilespmem:s13+$0xFFFFFFD0];
	[tilespmem:v14+s18+$0x0] =	vst.idx.msk $0xffff, v7  }
0x3f: {  	v14 =	vld [tilespmem:s13+$0x10];
	v7 =	vadd.f32 v8, v6  }
0x40: {  	s8 =	simm.s32 $0x7;
	s1 =	simm.s32 $0x9780;
	v16 =	vadd.s32 v1, v19  }
0x41: {  	s6 =	simm.s32 $0x4;
	v26 =	vadd.s32 v2, v13;
	v18 =	vld [tilespmem:s1+$0x40];
	v17 =	vadd.s32 v1, v20;
	[tilespmem:v11+s18+$0x0] =	vst.idx.msk $0xffff, v7;
	v7 =	vmov s8  }
0x42: {  	v21 =	vadd.s32 v1, v12;
	v8 =	vmov s6;
	v7 =	vand.u32 $0x7F, v7;
	v22 =	vld [tilespmem:s13+$0x60]  }
0x43: {  	s12 =	simm.s32 $0x5;
	v23 =	vld [tilespmem:s1+$0xFFFFFF80];
	v8 =	vand.u32 $0x7C, v8;
	v10 =	vadd.f32 v10, v6;
	v24 =	vadd.s32 v0, v7  }
0x44: {  	s14 =	simm.s32 $0x6;
	v25 =	vld [tilespmem:s1+$0xFFFFFFC0];
	v15 =	vadd.f32 v15, v6;
	v11 =	vadd.f32 v14, v6;
	v14 =	vmov s12  }
0x45: {  	v27 =	vadd.s32 v0, v8;
	[tilespmem:v16+s18+$0x0] =	vst.idx.msk $0xffff, v10;
	v16 =	vmov s14;
	v10 =	vand.u32 $0x7D, v14;
	v14 =	vld [tilespmem:s1+$0x0]  }
0x46: {  	[tilespmem:v17+s18+$0x0] =	vst.idx.msk $0xffff, v11;
	v17 =	vadd.s32 v0, v10;
	v11 =	vand.u32 $0x7E, v16;
	v16 =	vadd.f32 v18, v9;
	v18 =	vld [tilespmem:s13+$0xFFFFFFE0]  }
0x47: {  	[tilespmem:v21+s18+$0x0] =	vst.idx.msk $0xffff, v15;
	v15 =	vadd.s32 v0, v11;
	v21 =	vld [tilespmem:s13+$0x20];
	v22 =	vadd.f32 v22, v5  }
0x48: {  	v23 =	vadd.f32 v23, v9;
	[tilespmem:v24+s18+$0x0] =	vst.idx.msk $0xffff, v16;
	v16 =	vld [tilespmem:s13+$0xFFFFFFA0];
	v24 =	vadd.s32 v2, v19  }
0x49: {  	v29 =	vadd.s32 v2, v20;
	v25 =	vadd.f32 v25, v9;
	v28 =	vld [tilespmem:s1+$0x50];
	[tilespmem:v26+s18+$0x0] =	vst.idx.msk $0xffff, v22  }
0x4a: {  	[tilespmem:v27+s18+$0x0] =	vst.idx.msk $0xffff, v23;
	v23 =	vadd.s32 v2, v12;
	v14 =	vadd.f32 v14, v9;
	v26 =	vld [tilespmem:s13+$0x70]  }
0x4b: {  	v27 =	vld [tilespmem:s1+$0xFFFFFF90];
	[tilespmem:v17+s18+$0x0] =	vst.idx.msk $0xffff, v25;
	v25 =	vadd.s32 v1, v7;
	v18 =	vadd.f32 v18, v5  }
0x4c: {  	v31 =	vadd.s32 v3, v13;
	v30 =	vld [tilespmem:s1+$0xFFFFFFD0];
	[tilespmem:v15+s18+$0x0] =	vst.idx.msk $0xffff, v14;
	v14 =	vadd.f32 v21, v5  }
0x4d: {  	v22 =	vadd.s32 v1, v8;
	v17 =	vld [tilespmem:s1+$0x10];
	v13 =	vadd.f32 v16, v5;
	[tilespmem:v24+s18+$0x0] =	vst.idx.msk $0xffff, v18  }
0x4e: {  	s12 =	simm.s32 $0x8;
	v21 =	vadd.s32 v1, v10;
	[tilespmem:v29+s18+$0x0] =	vst.idx.msk $0xffff, v14;
	v18 =	vadd.f32 v28, v6;
	v16 =	vld [tilespmem:s13+$0xFFFFFFF0]  }
0x4f: {  	v24 =	vmov s12;
	v14 =	vadd.s32 v1, v11;
	v15 =	vld [tilespmem:s13+$0x30];
	[tilespmem:v23+s18+$0x0] =	vst.idx.msk $0xffff, v13;
	v63 =	vadd.f32 v26, v4  }
0x50: {  	s10 =	simm.s32 $0x9880;
	s15 =	simm.s32 $0xB;
	v19 =	vadd.s32 v3, v19;
	v13 =	vand.u32 $0x7C, v24;
	v24 =	vadd.f32 v27, v6;
	[tilespmem:v25+s18+$0x0] =	vst.idx.msk $0xffff, v18;
	v18 =	vld [tilespmem:s13+$0xFFFFFFB0]  }
0x51: {  	s5 =	simm.s32 $0xC;
	v20 =	vadd.s32 v3, v20;
	v26 =	vmov s15;
	v23 =	vld [tilespmem:s10+$0x40];
	v25 =	vadd.f32 v30, v6;
	[tilespmem:v31+s18+$0x0] =	vst.idx.msk $0xffff, v63  }
.LBB2_3:
0x52: {  	p0 =	slt.u32 s5, $0x7C;
	s13 =	sadd.s32 $0x1, s12;
	v26 =	vand.u32 $0x7F, v26;
	[tilespmem:v22+s18+$0x0] =	vst.idx.msk $0xffff, v24;
	v17 =	vadd.f32 v17, v6;
	v22 =	vld [tilespmem:s1+$0x60];
	v24 =	vadd.s32 v3, v12  }
0x53: {  	v30 =	vmovc v11;
	v27 =	vld [tilespmem:s10+$0xFFFFFF80];
	v28 =	vmov s13;
	s13 =	sadd.s32 $0x2, s12;
	v29 =	vadd.s32 v0, v26;
	[tilespmem:v21+s18+$0x0] =	vst.idx.msk $0xffff, v25;
	v16 =	vadd.f32 v16, v4;
	s12 =	smov.u32 s5  }
0x54: {  	v12 =	vmovc v8;
	v21 =	vld [tilespmem:s10+$0xFFFFFFC0];
	v11 =	vmov s13;
	[tilespmem:v14+s18+$0x0] =	vst.idx.msk $0xffff, v17;
	v14 =	vadd.s32 v2, v7;
	v15 =	vadd.f32 v15, v4  }
0x55: {  	v17 =	vadd.s32 v0, v13;
	v28 =	vand.u32 $0x7D, v28;
	v25 =	vld [tilespmem:s10+$0x0];
	v31 =	vadd.f32 v18, v4;
	[tilespmem:v19+s18+$0x0] =	vst.idx.msk $0xffff, v16  }
0x56: {  	v16 =	vadd.s32 v0, v28;
	v11 =	vand.u32 $0x7E, v11;
	v18 =	vadd.f32 v23, v9;
	v19 =	vld [tilespmem:s1+$0xFFFFFFE0];
	[tilespmem:v20+s18+$0x0] =	vst.idx.msk $0xffff, v15  }
0x57: {  	v8 =	vmov v13;
	v15 =	vadd.s32 v0, v11;
	v20 =	vld [tilespmem:s1+$0x20];
	v22 =	vadd.f32 v22, v5;
	[tilespmem:v24+s18+$0x0] =	vst.idx.msk $0xffff, v31  }
0x58: {  	v23 =	vadd.s32 v2, v10;
	v13 =	vadd.f32 v27, v9;
	[tilespmem:v29+s18+$0x0] =	vst.idx.msk $0xffff, v18;
	v18 =	vld [tilespmem:s1+$0xFFFFFFA0]  }
0x59: {  	v27 =	vadd.s32 v2, v30;
	v21 =	vadd.f32 v21, v9;
	v24 =	vld [tilespmem:s10+$0x50];
	[tilespmem:v14+s18+$0x0] =	vst.idx.msk $0xffff, v22  }
0x5a: {  	[tilespmem:v17+s18+$0x0] =	vst.idx.msk $0xffff, v13;
	v13 =	vadd.f32 v25, v9;
	v25 =	vadd.s32 v2, v12;
	v29 =	vld [tilespmem:s1+$0x70]  }
0x5b: {  	v32 =	vadd.s32 v1, v26;
	v31 =	vld [tilespmem:s10+$0xFFFFFF90];
	[tilespmem:v16+s18+$0x0] =	vst.idx.msk $0xffff, v21;
	v14 =	vadd.f32 v19, v5  }
0x5c: {  	v34 =	vadd.s32 v3, v7;
	v7 =	vmov v26;
	v33 =	vld [tilespmem:s10+$0xFFFFFFD0];
	[tilespmem:v15+s18+$0x0] =	vst.idx.msk $0xffff, v13;
	v13 =	vadd.f32 v20, v5  }
.Ltmp2:
0x5d: {  	v22 =	vadd.s32 v1, v8;
	v17 =	vld [tilespmem:s10+$0x10];
	v15 =	vadd.f32 v18, v5;
	[tilespmem:v23+s18+$0x0] =	vst.idx.msk $0xffff, v14;
	(pc) =	sbr.rel @p0 .LBB2_3-.Ltmp2, $4  }
0x5e: {  	v21 =	vadd.s32 v1, v28;
	v18 =	vadd.f32 v24, v6;
	v16 =	vld [tilespmem:s1+$0xFFFFFFF0];
	[tilespmem:v27+s18+$0x0] =	vst.idx.msk $0xffff, v13  }
0x5f: {  	v14 =	vadd.s32 v1, v11;
	v13 =	vmov s5;
	[tilespmem:v25+s18+$0x0] =	vst.idx.msk $0xffff, v15;
	v15 =	vld [tilespmem:s1+$0x30];
	v27 =	vadd.f32 v29, v4  }
0x60: {  	s13 =	sadd.s32 $0x3, s5;
	v19 =	vadd.s32 v3, v10;
	v13 =	vand.u32 $0x7C, v13;
	v24 =	vadd.f32 v31, v6;
	[tilespmem:v32+s18+$0x0] =	vst.idx.msk $0xffff, v18;
	v18 =	vld [tilespmem:s1+$0xFFFFFFB0];
	s1 =	smov.u32 s10;
	s10 =	sadd.s32 $0x100, s10  }
0x61: {  	v26 =	vmov s13;
	v10 =	vmovc v28;
	v20 =	vadd.s32 v3, v30;
	s5 =	sadd.s32 $0x4, s5;
	v23 =	vld [tilespmem:s10+$0x40];
	v25 =	vadd.f32 v33, v6;
	[tilespmem:v34+s18+$0x0] =	vst.idx.msk $0xffff, v27  }
0x62: {  	s5 =	sadd.s32 $0x1, s12  }
0x63: {  	v26 =	vand.u32 $0x7F, v26;
	s13 =	sadd.s32 $0x2, s12;
	v28 =	vld [tilespmem:s10+$0xFFFFFFC0];
	v27 =	vmov s5  }
0x64: {  	v31 =	vld [tilespmem:s10+$0x0];
	v29 =	vadd.s32 v0, v26;
	v30 =	vmov s13;
	v27 =	vand.u32 $0x7D, v27  }
0x65: {  	v32 =	vld [tilespmem:s10+$0xFFFFFF80];
	v30 =	vand.u32 $0x7E, v30;
	v33 =	vadd.s32 v0, v27  }
0x66: {  	v34 =	vadd.s32 v0, v30  }
0x67: {  	[tilespmem:v22+s18+$0x0] =	vst.idx.msk $0xffff, v24;
	v44 =	vadd.s32 v0, v13;
	v23 =	vadd.f32 v23, v9  }
0x68: {  	[tilespmem:v21+s18+$0x0] =	vst.idx.msk $0xffff, v25;
	v45 =	vadd.f32 v28, v9  }
0x69: {  	v46 =	vadd.f32 v31, v9;
	[tilespmem:v29+s18+$0x0] =	vst.idx.msk $0xffff, v23  }
0x6a: {  	v47 =	vadd.f32 v32, v9;
	v48 =	vld [tilespmem:s10+$0x50];
	[tilespmem:v33+s18+$0x0] =	vst.idx.msk $0xffff, v45  }
0x6b: {  	v17 =	vadd.f32 v17, v6;
	v12 =	vadd.s32 v3, v12;
	[tilespmem:v34+s18+$0x0] =	vst.idx.msk $0xffff, v46;
	v21 =	vld [tilespmem:s10+$0xFFFFFFD0]  }
0x6c: {  	v16 =	vadd.f32 v16, v4;
	v49 =	vadd.s32 v1, v26;
	[tilespmem:v44+s18+$0x0] =	vst.idx.msk $0xffff, v47;
	v50 =	vld [tilespmem:s10+$0x10]  }
0x6d: {  	[tilespmem:v14+s18+$0x0] =	vst.idx.msk $0xffff, v17;
	v51 =	vadd.f32 v15, v4;
	v53 =	vadd.s32 v1, v27;
	v52 =	vld [tilespmem:s10+$0xFFFFFF90]  }
0x6e: {  	v54 =	vld [tilespmem:s1+$0x60];
	v18 =	vadd.f32 v18, v4;
	[tilespmem:v19+s18+$0x0] =	vst.idx.msk $0xffff, v16;
	v55 =	vadd.s32 v1, v30  }
0x6f: {  	v57 =	vadd.s32 v1, v13;
	v60 =	vld [tilespmem:s1+$0x20];
	[tilespmem:v20+s18+$0x0] =	vst.idx.msk $0xffff, v51;
	v58 =	vadd.f32 v48, v6  }
0x70: {  	v59 =	vadd.s32 v2, v7;
	v56 =	vld [tilespmem:s1+$0xFFFFFFE0];
	[tilespmem:v12+s18+$0x0] =	vst.idx.msk $0xffff, v18;
	v61 =	vadd.f32 v21, v6  }
0x71: {  	v62 =	vld [tilespmem:s1+$0xFFFFFFA0];
	v29 =	vadd.s32 v2, v11;
	[tilespmem:v49+s18+$0x0] =	vst.idx.msk $0xffff, v58;
	v28 =	vadd.f32 v50, v6  }
0x72: {  	v63 =	vadd.s32 v2, v10;
	v31 =	vadd.f32 v52, v6;
	v32 =	vld [tilespmem:s10+$0x60];
	[tilespmem:v53+s18+$0x0] =	vst.idx.msk $0xffff, v61  }
0x73: {  	v33 =	vadd.f32 v54, v5;
	v34 =	vadd.s32 v2, v8;
	[tilespmem:v55+s18+$0x0] =	vst.idx.msk $0xffff, v28;
	v35 =	vld [tilespmem:s10+$0xFFFFFFE0]  }
0x74: {  	v37 =	vadd.s32 v2, v26;
	v39 =	vadd.f32 v60, v5;
	[tilespmem:v57+s18+$0x0] =	vst.idx.msk $0xffff, v31;
	v38 =	vld [tilespmem:s10+$0x20]  }
0x75: {  	v41 =	vadd.s32 v2, v27;
	v36 =	vadd.f32 v56, v5;
	[tilespmem:v59+s18+$0x0] =	vst.idx.msk $0xffff, v33;
	v40 =	vld [tilespmem:s10+$0xFFFFFFA0]  }
0x76: {  	v43 =	vadd.s32 v2, v30;
	v18 =	vadd.f32 v62, v5;
	v42 =	vld [tilespmem:s1+$0x70];
	[tilespmem:v29+s18+$0x0] =	vst.idx.msk $0xffff, v39  }
0x77: {  	v45 =	vadd.s32 v2, v13;
	[tilespmem:v63+s18+$0x0] =	vst.idx.msk $0xffff, v36;
	v47 =	vld [tilespmem:s1+$0x30];
	v44 =	vadd.f32 v32, v5  }
0x78: {  	v46 =	vadd.s32 v3, v7;
	[tilespmem:v34+s18+$0x0] =	vst.idx.msk $0xffff, v18;
	v21 =	vld [tilespmem:s1+$0xFFFFFFF0];
	v9 =	vadd.f32 v35, v5  }
0x79: {  	v18 =	vld [tilespmem:s1+$0xFFFFFFB0];
	v50 =	vadd.s32 v3, v11;
	[tilespmem:v37+s18+$0x0] =	vst.idx.msk $0xffff, v44;
	v49 =	vadd.f32 v38, v5  }
0x7a: {  	v48 =	vadd.s32 v3, v10;
	v5 =	vadd.f32 v40, v5;
	v12 =	vld [tilespmem:s10+$0x70];
	[tilespmem:v41+s18+$0x0] =	vst.idx.msk $0xffff, v9  }
0x7b: {  	v52 =	vadd.s32 v3, v8;
	v51 =	vadd.f32 v42, v4;
	[tilespmem:v43+s18+$0x0] =	vst.idx.msk $0xffff, v49;
	v53 =	vld [tilespmem:s10+$0xFFFFFFF0]  }
0x7c: {  	v55 =	vadd.s32 v3, v26;
	v56 =	vadd.f32 v47, v4;
	[tilespmem:v45+s18+$0x0] =	vst.idx.msk $0xffff, v5;
	v5 =	vld [tilespmem:s10+$0x30]  }
0x7d: {  	v58 =	vadd.s32 v3, v27;
	[tilespmem:v46+s18+$0x0] =	vst.idx.msk $0xffff, v51;
	v54 =	vadd.f32 v21, v4;
	v57 =	vld [tilespmem:s10+$0xFFFFFFB0]  }
0x7e: {  	v60 =	vadd.s32 v3, v30;
	v59 =	vadd.f32 v18, v4;
	[tilespmem:v50+s18+$0x0] =	vst.idx.msk $0xffff, v56  }
0x7f: {  	v62 =	vadd.s32 v3, v13;
	[tilespmem:v48+s18+$0x0] =	vst.idx.msk $0xffff, v54;
	v61 =	vadd.f32 v12, v4  }
0x80: {  	[tilespmem:v52+s18+$0x0] =	vst.idx.msk $0xffff, v59;
	v63 =	vadd.f32 v53, v4  }
0x81: {  	s14 =	sshll.u32 s0, $0x14;
	[tilespmem:v55+s18+$0x0] =	vst.idx.msk $0xffff, v61;
	v5 =	vadd.f32 v5, v4  }
0x82: {  	s1 =	sor.u32 s7, s14;
	v4 =	vadd.f32 v57, v4;
	[tilespmem:v58+s18+$0x0] =	vst.idx.msk $0xffff, v63  }
0x83: {  	s1 =	sshrl.u32 s1, $0x3;
	[tilespmem:v60+s18+$0x0] =	vst.idx.msk $0xffff, v5  }
0x84: {  	s15 =	simm.s32 $0x11600;
	s5 =	sadd.s32 s2, s1;
	[tilespmem:v62+s18+$0x0] =	vst.idx.msk $0xffff, v4  }
0x85: {  	[hbm4b:s5+s3] =	stream.linear.scatter [tilespmem:s15], [sflag:$0x5], $0x80, $0x38;
	[tilespmem:$0x1A600] =	vst v63  }
0x86: {  	s6 =	simm.s32 $0x11690;
	s8 =	sadd.s32 $0x10, s5  }
0x87: {  	[hbm4b:s8+s3] =	stream.linear.scatter [tilespmem:s6], [sflag:$0x5], $0x80, $0x38;
	[tilespmem:$0x1A600] =	vst v63  }
0x88: {  	s12 =	simm.s32 $0x11720;
	s14 =	simm.s32 $0x117B0;
	s13 =	sadd.s32 $0x20, s5  }
0x89: {  	[hbm4b:s13+s3] =	stream.linear.scatter [tilespmem:s12], [sflag:$0x5], $0x80, $0x38;
	[tilespmem:$0x1A600] =	vst v63  }
0x8a: {  	s1 =	simm.s32 $0x480;
	s10 =	simm.s32 $0x2400;
	s15 =	sadd.s32 $0x30, s5  }
0x8b: {  	[hbm4b:s15+s3] =	stream.linear.scatter [tilespmem:s14], [sflag:$0x5], $0x80, $0x38;
	[tilespmem:$0x1A600] =	vst v63  }
0x8c: {  	s6 =	simm.s32 $0x11840;
	s8 =	sadd.s32 $0x40, s5;
	s12 =	simm.s32 $0x118D0  }
0x8d: {  	[hbm4b:s8+s3] =	stream.linear.scatter [tilespmem:s6], [sflag:$0x5], $0x80, $0x38;
	[tilespmem:$0x1A600] =	vst v63  }
0x8e: {  	s13 =	sadd.s32 $0x50, s5;
	s14 =	simm.s32 $0x11960;
	s15 =	sadd.s32 $0x60, s5  }
0x8f: {  	[hbm4b:s13+s3] =	stream.linear.scatter [tilespmem:s12], [sflag:$0x5], $0x80, $0x38;
	[tilespmem:$0x1A600] =	vst v63  }
0x90: {  	s12 =	simm.s32 $0x119F0;
	s13 =	sadd.s32 $0x70, s5;
	s5 =	sadd.s32 $0x1000, s5  }
0x91: {  	[hbm4b:s15+s3] =	stream.linear.scatter [tilespmem:s14], [sflag:$0x5], $0x80, $0x38;
	[tilespmem:$0x1A600] =	vst v63  }
.LBB2_5:
0x92: {  	[hbm4b:s13+s3] =	stream.linear.scatter [tilespmem:s12], [sflag:$0x5], $0x80, $0x38;
	[tilespmem:$0x1A600] =	vst v63  }
0x93: {  	s12 =	smov.u32 s1;
	s1 =	smov.u32 s10  }
0x94: {  	s14 =	sadd.s32 $0x1200, s10;
	s1 =	sshra.s32 s1, $0x2;
	s13 =	sadd.s32 $0x11600, s12  }
0x95: {  	[hbm4b:s5+s3] =	stream.linear.scatter [tilespmem:s13], [sflag:$0x5], $0x80, $0x38;
	[tilespmem:$0x1A600] =	vst v63  }
0x96: {  	p0 =	sne.s32 s10, $0x7E00;
	s10 =	sadd.s32 $0x11690, s12;
	s13 =	sadd.s32 $0x10, s5  }
0x97: {  	[hbm4b:s13+s3] =	stream.linear.scatter [tilespmem:s10], [sflag:$0x5], $0x80, $0x38;
	[tilespmem:$0x1A600] =	vst v63  }
0x98: {  	s10 =	sadd.s32 $0x11720, s12;
	s13 =	sadd.s32 $0x20, s5  }
0x99: {  	[hbm4b:s13+s3] =	stream.linear.scatter [tilespmem:s10], [sflag:$0x5], $0x80, $0x38;
	[tilespmem:$0x1A600] =	vst v63  }
0x9a: {  	s10 =	sadd.s32 $0x117B0, s12;
	s13 =	sadd.s32 $0x30, s5  }
0x9b: {  	[hbm4b:s13+s3] =	stream.linear.scatter [tilespmem:s10], [sflag:$0x5], $0x80, $0x38;
	[tilespmem:$0x1A600] =	vst v63  }
0x9c: {  	s10 =	sadd.s32 $0x11840, s12;
	s13 =	sadd.s32 $0x40, s5  }
0x9d: {  	[hbm4b:s13+s3] =	stream.linear.scatter [tilespmem:s10], [sflag:$0x5], $0x80, $0x38;
	[tilespmem:$0x1A600] =	vst v63  }
.Ltmp3:
0x9e: {  	s10 =	sadd.s32 $0x118D0, s12;
	s13 =	sadd.s32 $0x50, s5;
	(pc) =	sbr.rel @p0 .LBB2_5-.Ltmp3, $4  }
0x9f: {  	[hbm4b:s13+s3] =	stream.linear.scatter [tilespmem:s10], [sflag:$0x5], $0x80, $0x38;
	[tilespmem:$0x1A600] =	vst v63  }
0xa0: {  	s10 =	sadd.s32 $0x11960, s12;
	s13 =	sadd.s32 $0x60, s5;
	s12 =	sadd.s32 $0x119F0, s12  }
0xa1: {  	[hbm4b:s13+s3] =	stream.linear.scatter [tilespmem:s10], [sflag:$0x5], $0x80, $0x38;
	[tilespmem:$0x1A600] =	vst v63  }
0xa2: {  	s13 =	sadd.s32 $0x70, s5;
	s5 =	sadd.s32 $0x1000, s5;
	s10 =	smov.u32 s14  }
0xa3: {  	[hbm4b:s13+s3] =	stream.linear.scatter [tilespmem:s12], [sflag:$0x5], $0x80, $0x38;
	[tilespmem:$0x1A600] =	vst v63  }
0xa4: {  	s10 =	sadd.s32 $0x11600, s1  }
0xa5: {  	[hbm4b:s5+s3] =	stream.linear.scatter [tilespmem:s10], [sflag:$0x5], $0x80, $0x38;
	[tilespmem:$0x1A600] =	vst v63  }
0xa6: {  	s12 =	sadd.s32 $0x11690, s1;
	s13 =	sadd.s32 $0x10, s5  }
0xa7: {  	[hbm4b:s13+s3] =	stream.linear.scatter [tilespmem:s12], [sflag:$0x5], $0x80, $0x38;
	[tilespmem:$0x1A600] =	vst v63  }
0xa8: {  	s14 =	sadd.s32 $0x11720, s1;
	s15 =	sadd.s32 $0x20, s5  }
0xa9: {  	[hbm4b:s15+s3] =	stream.linear.scatter [tilespmem:s14], [sflag:$0x5], $0x80, $0x38;
	[tilespmem:$0x1A600] =	vst v63  }
0xaa: {  	s6 =	sadd.s32 $0x117B0, s1;
	s8 =	sadd.s32 $0x30, s5  }
0xab: {  	[hbm4b:s8+s3] =	stream.linear.scatter [tilespmem:s6], [sflag:$0x5], $0x80, $0x38;
	[tilespmem:$0x1A600] =	vst v63  }
0xac: {  	s12 =	sadd.s32 $0x11840, s1;
	s13 =	sadd.s32 $0x40, s5  }
0xad: {  	[hbm4b:s13+s3] =	stream.linear.scatter [tilespmem:s12], [sflag:$0x5], $0x80, $0x38;
	[tilespmem:$0x1A600] =	vst v63  }
0xae: {  	s14 =	sadd.s32 $0x118D0, s1;
	s15 =	sadd.s32 $0x50, s5  }
0xaf: {  	[hbm4b:s15+s3] =	stream.linear.scatter [tilespmem:s14], [sflag:$0x5], $0x80, $0x38;
	[tilespmem:$0x1A600] =	vst v63  }
0xb0: {  	p0 =	seq.s32 s0, $0x0;
	s6 =	sadd.s32 $0x11960, s1;
	s8 =	sadd.s32 $0x60, s5  }
0xb1: {  	[hbm4b:s8+s3] =	stream.linear.scatter [tilespmem:s6], [sflag:$0x5], $0x80, $0x38;
	[tilespmem:$0x1A600] =	vst v63  }
0xb2: {  	s10 =	sadd.s32 $0x119F0, s1;
	s12 =	sadd.s32 $0x70, s5;
	s5 =	simm.s32 @!p0 $0x8  }
0xb3: {  	[hbm4b:s12+s3] =	stream.linear.scatter [tilespmem:s10], [sflag:$0x5], $0x80, $0x38;
	[tilespmem:$0x1A600] =	vst v63  }
0xb4: {  	s1 =	sshllo.u32 s0, $0x2;
	_ =	swait.ge @!p0 [sflag:s5], $0x2000  }
0xb5: {  	s13 =	sshll.u32 s1, $0x7;
	[sflag:s5] =	ssyncset.done @!p0 $0x0  }
0xb6: {  	s14 =	sand.u32 $0x3FFFFF80, s13;
	s10 =	sshll.u32 s0, $0x2;
	[sflag:s5] =	ssyncadd.s32 @!p0 $0xFFFFE000  }
0xb7: {  	[tilespmem:s19], [sflag:$0x4] =	stream.indirect.gather [hbm4b:s4+s9], $0x40, s14, s9, $0xb8;
	[tilespmem:$0x1A600] =	vst v63  }
0xb8: {  	s12 =	sor.u32 $0x1, s10;
	_ =	swait.ge [sflag:s20], $0x2000  }
0xb9: {  	s15 =	sshll.u32 s12, $0x6;
	[sflag:s20] =	ssyncset.done $0x0  }
0xba: {  	s13 =	sand.u32 $0x3FFFFFC0, s15;
	[sflag:s20] =	ssyncadd.s32 $0xFFFFE000  }
0xbb: {  	s5 =	simm.s32 $0xB6F0;
	s14 =	simm.s32 $0x3;
	v9 =	vld [tilespmem:s13+$0x6400]  }
0xbc: {  	v4 =	vmov s14;
	v7 =	vld [tilespmem:s5+$0xFFFFFFD0]  }
0xbd: {  	v13 =	vand.u32 $0x7F, v4  }
0xbe: {  	s6 =	simm.s32 $0x0;
	v8 =	vadd.s32 v0, v13;
	v6 =	vld [tilespmem:s13+$0x6410]  }
0xbf: {  	s8 =	simm.s32 $0x1;
	s15 =	simm.s32 $0x2;
	v4 =	vmov s6;
	v10 =	vld [tilespmem:s5+$0xFFFFFF10]  }
0xc0: {  	v14 =	vmov s15;
	v12 =	vand.u32 $0x7C, v4;
	v4 =	vmov s8;
	v11 =	vld [tilespmem:s5+$0xFFFFFF50]  }
0xc1: {  	v15 =	vadd.s32 v0, v12;
	v19 =	vand.u32 $0x7D, v4;
	v16 =	vld [tilespmem:s5+$0xFFFFFF90];
	v7 =	vadd.f32 v7, v9  }
0xc2: {  	v20 =	vand.u32 $0x7E, v14;
	v5 =	vld [tilespmem:s13+$0x6420];
	v17 =	vadd.s32 v0, v19  }
0xc3: {  	v14 =	vadd.s32 v0, v20;
	v4 =	vld [tilespmem:s13+$0x6430];
	[tilespmem:v8+s21+$0x0] =	vst.idx.msk $0xffff, v7  }
0xc4: {  	v7 =	vadd.f32 v10, v9;
	v8 =	vld [tilespmem:s5+$0xFFFFFFE0]  }
0xc5: {  	v10 =	vadd.f32 v11, v9  }
0xc6: {  	v11 =	vadd.s32 v1, v13;
	[tilespmem:v15+s21+$0x0] =	vst.idx.msk $0xffff, v7;
	v7 =	vadd.f32 v16, v9  }
0xc7: {  	[tilespmem:v17+s21+$0x0] =	vst.idx.msk $0xffff, v10;
	v15 =	vld [tilespmem:s5+$0xFFFFFF20]  }
0xc8: {  	v10 =	vld [tilespmem:s5+$0xFFFFFF60];
	[tilespmem:v14+s21+$0x0] =	vst.idx.msk $0xffff, v7  }
0xc9: {  	v14 =	vld [tilespmem:s5+$0xFFFFFFA0];
	v7 =	vadd.f32 v8, v6  }
0xca: {  	s6 =	simm.s32 $0x7;
	s13 =	simm.s32 $0xB7F0;
	v16 =	vadd.s32 v1, v19  }
0xcb: {  	s15 =	simm.s32 $0x4;
	v26 =	vadd.s32 v2, v13;
	v18 =	vld [tilespmem:s13+$0xFFFFFFD0];
	v17 =	vadd.s32 v1, v20;
	[tilespmem:v11+s21+$0x0] =	vst.idx.msk $0xffff, v7;
	v7 =	vmov s6  }
0xcc: {  	v21 =	vadd.s32 v1, v12;
	v8 =	vmov s15;
	v7 =	vand.u32 $0x7F, v7;
	v22 =	vld [tilespmem:s5+$0xFFFFFFF0]  }
0xcd: {  	s8 =	simm.s32 $0x5;
	v23 =	vld [tilespmem:s13+$0xFFFFFF10];
	v8 =	vand.u32 $0x7C, v8;
	v10 =	vadd.f32 v10, v6;
	v24 =	vadd.s32 v0, v7  }
0xce: {  	v25 =	vld [tilespmem:s13+$0xFFFFFF50];
	s15 =	simm.s32 $0x6;
	v15 =	vadd.f32 v15, v6;
	v11 =	vadd.f32 v14, v6;
	v14 =	vmov s8  }
0xcf: {  	v27 =	vadd.s32 v0, v8;
	[tilespmem:v16+s21+$0x0] =	vst.idx.msk $0xffff, v10;
	v16 =	vmov s15;
	v10 =	vand.u32 $0x7D, v14;
	v14 =	vld [tilespmem:s13+$0xFFFFFF90]  }
0xd0: {  	[tilespmem:v17+s21+$0x0] =	vst.idx.msk $0xffff, v11;
	v17 =	vadd.s32 v0, v10;
	v11 =	vand.u32 $0x7E, v16;
	v16 =	vadd.f32 v18, v9;
	v18 =	vld [tilespmem:s5+$0xFFFFFF70]  }
0xd1: {  	[tilespmem:v21+s21+$0x0] =	vst.idx.msk $0xffff, v15;
	v15 =	vadd.s32 v0, v11;
	v21 =	vld [tilespmem:s5+$0xFFFFFFB0];
	v22 =	vadd.f32 v22, v5  }
0xd2: {  	v23 =	vadd.f32 v23, v9;
	[tilespmem:v24+s21+$0x0] =	vst.idx.msk $0xffff, v16;
	v16 =	vld [tilespmem:s5+$0xFFFFFF30];
	v24 =	vadd.s32 v2, v19  }
0xd3: {  	v29 =	vadd.s32 v2, v20;
	v25 =	vadd.f32 v25, v9;
	v28 =	vld [tilespmem:s13+$0xFFFFFFE0];
	[tilespmem:v26+s21+$0x0] =	vst.idx.msk $0xffff, v22  }
0xd4: {  	[tilespmem:v27+s21+$0x0] =	vst.idx.msk $0xffff, v23;
	v23 =	vadd.s32 v2, v12;
	v14 =	vadd.f32 v14, v9;
	v26 =	vld [tilespmem:s5+$0x0]  }
0xd5: {  	v27 =	vld [tilespmem:s13+$0xFFFFFF20];
	[tilespmem:v17+s21+$0x0] =	vst.idx.msk $0xffff, v25;
	v25 =	vadd.s32 v1, v7;
	v18 =	vadd.f32 v18, v5  }
0xd6: {  	v31 =	vadd.s32 v3, v13;
	v30 =	vld [tilespmem:s13+$0xFFFFFF60];
	[tilespmem:v15+s21+$0x0] =	vst.idx.msk $0xffff, v14;
	v14 =	vadd.f32 v21, v5  }
0xd7: {  	v22 =	vadd.s32 v1, v8;
	v17 =	vld [tilespmem:s13+$0xFFFFFFA0];
	v13 =	vadd.f32 v16, v5;
	[tilespmem:v24+s21+$0x0] =	vst.idx.msk $0xffff, v18  }
0xd8: {  	s15 =	simm.s32 $0x8;
	v21 =	vadd.s32 v1, v10;
	[tilespmem:v29+s21+$0x0] =	vst.idx.msk $0xffff, v14;
	v18 =	vadd.f32 v28, v6;
	v16 =	vld [tilespmem:s5+$0xFFFFFF80]  }
0xd9: {  	v24 =	vmov s15;
	v14 =	vadd.s32 v1, v11;
	v15 =	vld [tilespmem:s5+$0xFFFFFFC0];
	[tilespmem:v23+s21+$0x0] =	vst.idx.msk $0xffff, v13;
	v63 =	vadd.f32 v26, v4  }
0xda: {  	s14 =	simm.s32 $0xB8F0;
	s6 =	simm.s32 $0xB;
	v19 =	vadd.s32 v3, v19;
	v13 =	vand.u32 $0x7C, v24;
	v24 =	vadd.f32 v27, v6;
	[tilespmem:v25+s21+$0x0] =	vst.idx.msk $0xffff, v18;
	v18 =	vld [tilespmem:s5+$0xFFFFFF40]  }
0xdb: {  	v20 =	vadd.s32 v3, v20;
	v26 =	vmov s6;
	v23 =	vld [tilespmem:s14+$0xFFFFFFD0];
	s5 =	simm.s32 $0xC;
	v25 =	vadd.f32 v30, v6;
	[tilespmem:v31+s21+$0x0] =	vst.idx.msk $0xffff, v63  }
.LBB2_7:
0xdc: {  	p0 =	slt.u32 s5, $0x7C;
	s6 =	sadd.s32 $0x1, s15;
	v26 =	vand.u32 $0x7F, v26;
	[tilespmem:v22+s21+$0x0] =	vst.idx.msk $0xffff, v24;
	v17 =	vadd.f32 v17, v6;
	v22 =	vld [tilespmem:s13+$0xFFFFFFF0];
	v24 =	vadd.s32 v3, v12  }
0xdd: {  	v30 =	vmovc v11;
	v27 =	vld [tilespmem:s14+$0xFFFFFF10];
	v28 =	vmov s6;
	s6 =	sadd.s32 $0x2, s15;
	v29 =	vadd.s32 v0, v26;
	[tilespmem:v21+s21+$0x0] =	vst.idx.msk $0xffff, v25;
	v16 =	vadd.f32 v16, v4;
	s15 =	smov.u32 s5  }
0xde: {  	v12 =	vmovc v8;
	v21 =	vld [tilespmem:s14+$0xFFFFFF50];
	v11 =	vmov s6;
	[tilespmem:v14+s21+$0x0] =	vst.idx.msk $0xffff, v17;
	v14 =	vadd.s32 v2, v7;
	v15 =	vadd.f32 v15, v4  }
0xdf: {  	v17 =	vadd.s32 v0, v13;
	v28 =	vand.u32 $0x7D, v28;
	v25 =	vld [tilespmem:s14+$0xFFFFFF90];
	v31 =	vadd.f32 v18, v4;
	[tilespmem:v19+s21+$0x0] =	vst.idx.msk $0xffff, v16  }
0xe0: {  	v16 =	vadd.s32 v0, v28;
	v11 =	vand.u32 $0x7E, v11;
	v18 =	vadd.f32 v23, v9;
	v19 =	vld [tilespmem:s13+$0xFFFFFF70];
	[tilespmem:v20+s21+$0x0] =	vst.idx.msk $0xffff, v15  }
0xe1: {  	v8 =	vmov v13;
	v15 =	vadd.s32 v0, v11;
	v20 =	vld [tilespmem:s13+$0xFFFFFFB0];
	v22 =	vadd.f32 v22, v5;
	[tilespmem:v24+s21+$0x0] =	vst.idx.msk $0xffff, v31  }
0xe2: {  	v23 =	vadd.s32 v2, v10;
	v13 =	vadd.f32 v27, v9;
	[tilespmem:v29+s21+$0x0] =	vst.idx.msk $0xffff, v18;
	v18 =	vld [tilespmem:s13+$0xFFFFFF30]  }
0xe3: {  	v27 =	vadd.s32 v2, v30;
	v21 =	vadd.f32 v21, v9;
	v24 =	vld [tilespmem:s14+$0xFFFFFFE0];
	[tilespmem:v14+s21+$0x0] =	vst.idx.msk $0xffff, v22  }
0xe4: {  	[tilespmem:v17+s21+$0x0] =	vst.idx.msk $0xffff, v13;
	v13 =	vadd.f32 v25, v9;
	v25 =	vadd.s32 v2, v12;
	v29 =	vld [tilespmem:s13+$0x0]  }
0xe5: {  	v32 =	vadd.s32 v1, v26;
	v31 =	vld [tilespmem:s14+$0xFFFFFF20];
	[tilespmem:v16+s21+$0x0] =	vst.idx.msk $0xffff, v21;
	v14 =	vadd.f32 v19, v5  }
0xe6: {  	v34 =	vadd.s32 v3, v7;
	v7 =	vmov v26;
	v33 =	vld [tilespmem:s14+$0xFFFFFF60];
	[tilespmem:v15+s21+$0x0] =	vst.idx.msk $0xffff, v13;
	v13 =	vadd.f32 v20, v5  }
.Ltmp4:
0xe7: {  	v22 =	vadd.s32 v1, v8;
	v17 =	vld [tilespmem:s14+$0xFFFFFFA0];
	v15 =	vadd.f32 v18, v5;
	[tilespmem:v23+s21+$0x0] =	vst.idx.msk $0xffff, v14;
	(pc) =	sbr.rel @p0 .LBB2_7-.Ltmp4, $4  }
0xe8: {  	v21 =	vadd.s32 v1, v28;
	v18 =	vadd.f32 v24, v6;
	v16 =	vld [tilespmem:s13+$0xFFFFFF80];
	[tilespmem:v27+s21+$0x0] =	vst.idx.msk $0xffff, v13  }
0xe9: {  	v14 =	vadd.s32 v1, v11;
	v13 =	vmov s5;
	[tilespmem:v25+s21+$0x0] =	vst.idx.msk $0xffff, v15;
	v15 =	vld [tilespmem:s13+$0xFFFFFFC0];
	v27 =	vadd.f32 v29, v4  }
0xea: {  	s6 =	sadd.s32 $0x3, s5;
	v19 =	vadd.s32 v3, v10;
	v13 =	vand.u32 $0x7C, v13;
	v24 =	vadd.f32 v31, v6;
	[tilespmem:v32+s21+$0x0] =	vst.idx.msk $0xffff, v18;
	v18 =	vld [tilespmem:s13+$0xFFFFFF40];
	s13 =	smov.u32 s14;
	s14 =	sadd.s32 $0x100, s14  }
0xeb: {  	v26 =	vmov s6;
	v10 =	vmovc v28;
	v20 =	vadd.s32 v3, v30;
	s5 =	sadd.s32 $0x4, s5;
	v23 =	vld [tilespmem:s14+$0xFFFFFFD0];
	v25 =	vadd.f32 v33, v6;
	[tilespmem:v34+s21+$0x0] =	vst.idx.msk $0xffff, v27  }
0xec: {  	s5 =	sadd.s32 $0x1, s15  }
0xed: {  	v26 =	vand.u32 $0x7F, v26;
	s6 =	sadd.s32 $0x2, s15;
	v28 =	vld [tilespmem:s14+$0xFFFFFF50];
	v27 =	vmov s5  }
0xee: {  	v31 =	vld [tilespmem:s14+$0xFFFFFF90];
	v29 =	vadd.s32 v0, v26;
	v30 =	vmov s6;
	v27 =	vand.u32 $0x7D, v27  }
0xef: {  	v32 =	vld [tilespmem:s14+$0xFFFFFF10];
	v30 =	vand.u32 $0x7E, v30;
	v33 =	vadd.s32 v0, v27  }
0xf0: {  	v34 =	vadd.s32 v0, v30  }
0xf1: {  	[tilespmem:v22+s21+$0x0] =	vst.idx.msk $0xffff, v24;
	v44 =	vadd.s32 v0, v13;
	v23 =	vadd.f32 v23, v9  }
0xf2: {  	[tilespmem:v21+s21+$0x0] =	vst.idx.msk $0xffff, v25;
	v45 =	vadd.f32 v28, v9  }
0xf3: {  	v46 =	vadd.f32 v31, v9;
	[tilespmem:v29+s21+$0x0] =	vst.idx.msk $0xffff, v23  }
0xf4: {  	v47 =	vadd.f32 v32, v9;
	v48 =	vld [tilespmem:s14+$0xFFFFFFE0];
	[tilespmem:v33+s21+$0x0] =	vst.idx.msk $0xffff, v45  }
0xf5: {  	v17 =	vadd.f32 v17, v6;
	v12 =	vadd.s32 v3, v12;
	[tilespmem:v34+s21+$0x0] =	vst.idx.msk $0xffff, v46;
	v21 =	vld [tilespmem:s14+$0xFFFFFF60]  }
0xf6: {  	v16 =	vadd.f32 v16, v4;
	v49 =	vadd.s32 v1, v26;
	[tilespmem:v44+s21+$0x0] =	vst.idx.msk $0xffff, v47;
	v50 =	vld [tilespmem:s14+$0xFFFFFFA0]  }
0xf7: {  	[tilespmem:v14+s21+$0x0] =	vst.idx.msk $0xffff, v17;
	v51 =	vadd.f32 v15, v4;
	v53 =	vadd.s32 v1, v27;
	v52 =	vld [tilespmem:s14+$0xFFFFFF20]  }
0xf8: {  	v54 =	vld [tilespmem:s13+$0xFFFFFFF0];
	v18 =	vadd.f32 v18, v4;
	[tilespmem:v19+s21+$0x0] =	vst.idx.msk $0xffff, v16;
	v55 =	vadd.s32 v1, v30  }
0xf9: {  	v57 =	vadd.s32 v1, v13;
	v60 =	vld [tilespmem:s13+$0xFFFFFFB0];
	[tilespmem:v20+s21+$0x0] =	vst.idx.msk $0xffff, v51;
	v58 =	vadd.f32 v48, v6  }
0xfa: {  	v59 =	vadd.s32 v2, v7;
	v56 =	vld [tilespmem:s13+$0xFFFFFF70];
	[tilespmem:v12+s21+$0x0] =	vst.idx.msk $0xffff, v18;
	v61 =	vadd.f32 v21, v6  }
0xfb: {  	v62 =	vld [tilespmem:s13+$0xFFFFFF30];
	v29 =	vadd.s32 v2, v11;
	[tilespmem:v49+s21+$0x0] =	vst.idx.msk $0xffff, v58;
	v28 =	vadd.f32 v50, v6  }
0xfc: {  	v63 =	vadd.s32 v2, v10;
	v31 =	vadd.f32 v52, v6;
	v32 =	vld [tilespmem:s14+$0xFFFFFFF0];
	[tilespmem:v53+s21+$0x0] =	vst.idx.msk $0xffff, v61  }
0xfd: {  	v33 =	vadd.f32 v54, v5;
	v34 =	vadd.s32 v2, v8;
	[tilespmem:v55+s21+$0x0] =	vst.idx.msk $0xffff, v28;
	v35 =	vld [tilespmem:s14+$0xFFFFFF70]  }
0xfe: {  	v37 =	vadd.s32 v2, v26;
	v39 =	vadd.f32 v60, v5;
	[tilespmem:v57+s21+$0x0] =	vst.idx.msk $0xffff, v31;
	v38 =	vld [tilespmem:s14+$0xFFFFFFB0]  }
0xff: {  	v41 =	vadd.s32 v2, v27;
	v36 =	vadd.f32 v56, v5;
	[tilespmem:v59+s21+$0x0] =	vst.idx.msk $0xffff, v33;
	v40 =	vld [tilespmem:s14+$0xFFFFFF30]  }
0x100: {  	v43 =	vadd.s32 v2, v30;
	v18 =	vadd.f32 v62, v5;
	v42 =	vld [tilespmem:s13+$0x0];
	[tilespmem:v29+s21+$0x0] =	vst.idx.msk $0xffff, v39  }
0x101: {  	v45 =	vadd.s32 v2, v13;
	[tilespmem:v63+s21+$0x0] =	vst.idx.msk $0xffff, v36;
	v47 =	vld [tilespmem:s13+$0xFFFFFFC0];
	v44 =	vadd.f32 v32, v5  }
0x102: {  	v46 =	vadd.s32 v3, v7;
	[tilespmem:v34+s21+$0x0] =	vst.idx.msk $0xffff, v18;
	v21 =	vld [tilespmem:s13+$0xFFFFFF80];
	v9 =	vadd.f32 v35, v5  }
0x103: {  	v18 =	vld [tilespmem:s13+$0xFFFFFF40];
	v50 =	vadd.s32 v3, v11;
	[tilespmem:v37+s21+$0x0] =	vst.idx.msk $0xffff, v44;
	v49 =	vadd.f32 v38, v5  }
0x104: {  	v48 =	vadd.s32 v3, v10;
	v5 =	vadd.f32 v40, v5;
	v12 =	vld [tilespmem:s14+$0x0];
	[tilespmem:v41+s21+$0x0] =	vst.idx.msk $0xffff, v9  }
0x105: {  	v52 =	vadd.s32 v3, v8;
	v51 =	vadd.f32 v42, v4;
	[tilespmem:v43+s21+$0x0] =	vst.idx.msk $0xffff, v49;
	v53 =	vld [tilespmem:s14+$0xFFFFFF80]  }
0x106: {  	v55 =	vadd.s32 v3, v26;
	v56 =	vadd.f32 v47, v4;
	[tilespmem:v45+s21+$0x0] =	vst.idx.msk $0xffff, v5;
	v5 =	vld [tilespmem:s14+$0xFFFFFFC0]  }
0x107: {  	v58 =	vadd.s32 v3, v27;
	[tilespmem:v46+s21+$0x0] =	vst.idx.msk $0xffff, v51;
	v54 =	vadd.f32 v21, v4;
	v57 =	vld [tilespmem:s14+$0xFFFFFF40]  }
0x108: {  	v60 =	vadd.s32 v3, v30;
	v59 =	vadd.f32 v18, v4;
	[tilespmem:v50+s21+$0x0] =	vst.idx.msk $0xffff, v56  }
0x109: {  	v62 =	vadd.s32 v3, v13;
	[tilespmem:v48+s21+$0x0] =	vst.idx.msk $0xffff, v54;
	v61 =	vadd.f32 v12, v4  }
0x10a: {  	[tilespmem:v52+s21+$0x0] =	vst.idx.msk $0xffff, v59;
	v63 =	vadd.f32 v53, v4  }
0x10b: {  	s8 =	sshll.u32 s12, $0x12;
	[tilespmem:v55+s21+$0x0] =	vst.idx.msk $0xffff, v61;
	v5 =	vadd.f32 v5, v4  }
0x10c: {  	s5 =	sor.u32 s7, s8;
	v4 =	vadd.f32 v57, v4;
	[tilespmem:v58+s21+$0x0] =	vst.idx.msk $0xffff, v63  }
0x10d: {  	s5 =	sshrl.u32 s5, $0x3;
	[tilespmem:v60+s21+$0x0] =	vst.idx.msk $0xffff, v5  }
0x10e: {  	s12 =	simm.s32 $0x13A00;
	s6 =	sadd.s32 s2, s5;
	[tilespmem:v62+s21+$0x0] =	vst.idx.msk $0xffff, v4  }
0x10f: {  	[hbm4b:s6+s3] =	stream.linear.scatter [tilespmem:s12], [sflag:$0x6], $0x80, $0x38;
	[tilespmem:$0x1A600] =	vst v63  }
0x110: {  	s13 =	simm.s32 $0x13A90;
	s14 =	sadd.s32 $0x10, s6  }
0x111: {  	[hbm4b:s14+s3] =	stream.linear.scatter [tilespmem:s13], [sflag:$0x6], $0x80, $0x38;
	[tilespmem:$0x1A600] =	vst v63  }
0x112: {  	s15 =	simm.s32 $0x13B20;
	s8 =	sadd.s32 $0x20, s6  }
0x113: {  	[hbm4b:s8+s3] =	stream.linear.scatter [tilespmem:s15], [sflag:$0x6], $0x80, $0x38;
	[tilespmem:$0x1A600] =	vst v63  }
0x114: {  	s13 =	simm.s32 $0x13BB0;
	s14 =	sadd.s32 $0x30, s6  }
0x115: {  	[hbm4b:s14+s3] =	stream.linear.scatter [tilespmem:s13], [sflag:$0x6], $0x80, $0x38;
	[tilespmem:$0x1A600] =	vst v63  }
0x116: {  	s15 =	simm.s32 $0x13C40;
	s8 =	sadd.s32 $0x40, s6  }
0x117: {  	[hbm4b:s8+s3] =	stream.linear.scatter [tilespmem:s15], [sflag:$0x6], $0x80, $0x38;
	[tilespmem:$0x1A600] =	vst v63  }
0x118: {  	s5 =	simm.s32 $0x480;
	s12 =	simm.s32 $0x13CD0;
	s13 =	sadd.s32 $0x50, s6  }
0x119: {  	[hbm4b:s13+s3] =	stream.linear.scatter [tilespmem:s12], [sflag:$0x6], $0x80, $0x38;
	[tilespmem:$0x1A600] =	vst v63  }
0x11a: {  	s14 =	simm.s32 $0x13D60;
	s15 =	sadd.s32 $0x60, s6;
	s13 =	simm.s32 $0x2400  }
0x11b: {  	[hbm4b:s15+s3] =	stream.linear.scatter [tilespmem:s14], [sflag:$0x6], $0x80, $0x38;
	[tilespmem:$0x1A600] =	vst v63  }
0x11c: {  	s12 =	sadd.s32 $0x1000, s6;
	s14 =	simm.s32 $0x13DF0;
	s15 =	sadd.s32 $0x70, s6  }
.LBB2_9:
0x11d: {  	[hbm4b:s15+s3] =	stream.linear.scatter [tilespmem:s14], [sflag:$0x6], $0x80, $0x38;
	[tilespmem:$0x1A600] =	vst v63  }
0x11e: {  	s6 =	smov.u32 s5;
	s5 =	smov.u32 s13  }
0x11f: {  	s8 =	sadd.s32 $0x1200, s13;
	s5 =	sshra.s32 s5, $0x2;
	s14 =	sadd.s32 $0x13A00, s6  }
0x120: {  	[hbm4b:s12+s3] =	stream.linear.scatter [tilespmem:s14], [sflag:$0x6], $0x80, $0x38;
	[tilespmem:$0x1A600] =	vst v63  }
0x121: {  	p0 =	sne.s32 s13, $0x7E00;
	s13 =	sadd.s32 $0x13A90, s6;
	s14 =	sadd.s32 $0x10, s12  }
0x122: {  	[hbm4b:s14+s3] =	stream.linear.scatter [tilespmem:s13], [sflag:$0x6], $0x80, $0x38;
	[tilespmem:$0x1A600] =	vst v63  }
0x123: {  	s13 =	sadd.s32 $0x13B20, s6;
	s14 =	sadd.s32 $0x20, s12  }
0x124: {  	[hbm4b:s14+s3] =	stream.linear.scatter [tilespmem:s13], [sflag:$0x6], $0x80, $0x38;
	[tilespmem:$0x1A600] =	vst v63  }
0x125: {  	s13 =	sadd.s32 $0x13BB0, s6;
	s14 =	sadd.s32 $0x30, s12  }
0x126: {  	[hbm4b:s14+s3] =	stream.linear.scatter [tilespmem:s13], [sflag:$0x6], $0x80, $0x38;
	[tilespmem:$0x1A600] =	vst v63  }
0x127: {  	s13 =	sadd.s32 $0x13C40, s6;
	s14 =	sadd.s32 $0x40, s12  }
0x128: {  	[hbm4b:s14+s3] =	stream.linear.scatter [tilespmem:s13], [sflag:$0x6], $0x80, $0x38;
	[tilespmem:$0x1A600] =	vst v63  }
.Ltmp5:
0x129: {  	s13 =	sadd.s32 $0x13CD0, s6;
	s14 =	sadd.s32 $0x50, s12;
	(pc) =	sbr.rel @p0 .LBB2_9-.Ltmp5, $4  }
0x12a: {  	[hbm4b:s14+s3] =	stream.linear.scatter [tilespmem:s13], [sflag:$0x6], $0x80, $0x38;
	[tilespmem:$0x1A600] =	vst v63  }
0x12b: {  	s15 =	sadd.s32 $0x70, s12;
	s13 =	sadd.s32 $0x13D60, s6;
	s14 =	sadd.s32 $0x60, s12  }
0x12c: {  	[hbm4b:s14+s3] =	stream.linear.scatter [tilespmem:s13], [sflag:$0x6], $0x80, $0x38;
	[tilespmem:$0x1A600] =	vst v63  }
0x12d: {  	s12 =	sadd.s32 $0x1000, s12;
	s14 =	sadd.s32 $0x13DF0, s6;
	s13 =	smov.u32 s8  }
0x12e: {  	[hbm4b:s15+s3] =	stream.linear.scatter [tilespmem:s14], [sflag:$0x6], $0x80, $0x38;
	[tilespmem:$0x1A600] =	vst v63  }
0x12f: {  	s6 =	sadd.s32 $0x13A00, s5  }
0x130: {  	[hbm4b:s12+s3] =	stream.linear.scatter [tilespmem:s6], [sflag:$0x6], $0x80, $0x38;
	[tilespmem:$0x1A600] =	vst v63  }
0x131: {  	s15 =	sadd.s32 $0x13A90, s5;
	s8 =	sadd.s32 $0x10, s12  }
0x132: {  	[hbm4b:s8+s3] =	stream.linear.scatter [tilespmem:s15], [sflag:$0x6], $0x80, $0x38;
	[tilespmem:$0x1A600] =	vst v63  }
0x133: {  	s13 =	sadd.s32 $0x20, s12;
	s8 =	sadd.s32 $0x13B20, s5  }
0x134: {  	[hbm4b:s13+s3] =	stream.linear.scatter [tilespmem:s8], [sflag:$0x6], $0x80, $0x38;
	[tilespmem:$0x1A600] =	vst v63  }
0x135: {  	s14 =	sadd.s32 $0x13BB0, s5;
	s15 =	sadd.s32 $0x30, s12  }
0x136: {  	[hbm4b:s15+s3] =	stream.linear.scatter [tilespmem:s14], [sflag:$0x6], $0x80, $0x38;
	[tilespmem:$0x1A600] =	vst v63  }
0x137: {  	s8 =	sadd.s32 $0x13C40, s5;
	s13 =	sadd.s32 $0x40, s12  }
0x138: {  	[hbm4b:s13+s3] =	stream.linear.scatter [tilespmem:s8], [sflag:$0x6], $0x80, $0x38;
	[tilespmem:$0x1A600] =	vst v63  }
0x139: {  	s14 =	sadd.s32 $0x13CD0, s5;
	s15 =	sadd.s32 $0x50, s12  }
0x13a: {  	[hbm4b:s15+s3] =	stream.linear.scatter [tilespmem:s14], [sflag:$0x6], $0x80, $0x38;
	[tilespmem:$0x1A600] =	vst v63  }
0x13b: {  	p0 =	seq.s32 s0, $0x31;
	s8 =	sadd.s32 $0x13D60, s5;
	s13 =	sadd.s32 $0x60, s12  }
0x13c: {  	[hbm4b:s13+s3] =	stream.linear.scatter [tilespmem:s8], [sflag:$0x6], $0x80, $0x38;
	[tilespmem:$0x1A600] =	vst v63  }
0x13d: {  	s14 =	sadd.s32 $0x13DF0, s5;
	s15 =	sadd.s32 $0x70, s12;
	s5 =	simm.s32 @!p0 $0x5  }
0x13e: {  	[hbm4b:s15+s3] =	stream.linear.scatter [tilespmem:s14], [sflag:$0x6], $0x80, $0x38;
	[tilespmem:$0x1A600] =	vst v63  }
0x13f: {  	s6 =	sshll.u32 @!p0 s0, $0x9;
	_ =	swait.ge @!p0 [sflag:s5], $0x2000  }
0x140: {  	s12 =	sand.u32 @!p0 $0x3FFFFE00, s6;
	s6 =	simm.s32 @!p0 $0x80;
	[sflag:s5] =	ssyncset.done @!p0 $0x0  }
0x141: {  	s8 =	simm.s32 @!p0 $0x9600;
	[sflag:s5] =	ssyncadd.s32 @!p0 $0xFFFFE000;
	s5 =	sadd.s32 @!p0 $0x200, s12  }
0x142: {  	[tilespmem:s8], [sflag:$0x1] =	stream.indirect.gather @!p0 [hbm4b:s4+s6], $0x40, s5, s6, $0xb8;
	[tilespmem:$0x1A600] =	vst v63  }
0x143: {  	s10 =	sor.u32 $0x2, s10;
	_ =	swait.ge [sflag:s22], $0x2000  }
0x144: {  	s8 =	sshll.u32 s10, $0x6;
	[sflag:s22] =	ssyncset.done $0x0  }
0x145: {  	s6 =	sand.u32 $0x3FFFFFC0, s8;
	[sflag:s22] =	ssyncadd.s32 $0xFFFFE000  }
0x146: {  	s13 =	simm.s32 $0x3;
	s5 =	simm.s32 $0xD6F0;
	v9 =	vld [tilespmem:s6+$0x6400]  }
0x147: {  	v4 =	vmov s13;
	v7 =	vld [tilespmem:s5+$0xFFFFFFD0]  }
0x148: {  	v13 =	vand.u32 $0x7F, v4  }
0x149: {  	s14 =	simm.s32 $0x0;
	v8 =	vadd.s32 v0, v13;
	v6 =	vld [tilespmem:s6+$0x6410]  }
0x14a: {  	s13 =	simm.s32 $0x2;
	s15 =	simm.s32 $0x1;
	v4 =	vmov s14;
	v10 =	vld [tilespmem:s5+$0xFFFFFF10]  }
0x14b: {  	v14 =	vmov s13;
	v12 =	vand.u32 $0x7C, v4;
	v4 =	vmov s15;
	v11 =	vld [tilespmem:s5+$0xFFFFFF50]  }
0x14c: {  	v15 =	vadd.s32 v0, v12;
	v19 =	vand.u32 $0x7D, v4;
	v16 =	vld [tilespmem:s5+$0xFFFFFF90];
	v7 =	vadd.f32 v7, v9  }
0x14d: {  	v20 =	vand.u32 $0x7E, v14;
	v17 =	vadd.s32 v0, v19;
	v5 =	vld [tilespmem:s6+$0x6420]  }
0x14e: {  	v14 =	vadd.s32 v0, v20;
	v4 =	vld [tilespmem:s6+$0x6430];
	[tilespmem:v8+s23+$0x0] =	vst.idx.msk $0xffff, v7  }
0x14f: {  	v7 =	vadd.f32 v10, v9;
	v8 =	vld [tilespmem:s5+$0xFFFFFFE0]  }
0x150: {  	v10 =	vadd.f32 v11, v9  }
0x151: {  	v11 =	vadd.s32 v1, v13;
	[tilespmem:v15+s23+$0x0] =	vst.idx.msk $0xffff, v7;
	v7 =	vadd.f32 v16, v9  }
0x152: {  	[tilespmem:v17+s23+$0x0] =	vst.idx.msk $0xffff, v10;
	v15 =	vld [tilespmem:s5+$0xFFFFFF20]  }
0x153: {  	v10 =	vld [tilespmem:s5+$0xFFFFFF60];
	[tilespmem:v14+s23+$0x0] =	vst.idx.msk $0xffff, v7  }
0x154: {  	v14 =	vld [tilespmem:s5+$0xFFFFFFA0];
	v7 =	vadd.f32 v8, v6  }
0x155: {  	s13 =	simm.s32 $0xD7F0;
	s15 =	simm.s32 $0x7;
	v16 =	vadd.s32 v1, v19  }
0x156: {  	s14 =	simm.s32 $0x4;
	v26 =	vadd.s32 v2, v13;
	v18 =	vld [tilespmem:s13+$0xFFFFFFD0];
	v17 =	vadd.s32 v1, v20;
	[tilespmem:v11+s23+$0x0] =	vst.idx.msk $0xffff, v7;
	v7 =	vmov s15  }
0x157: {  	v21 =	vadd.s32 v1, v12;
	v8 =	vmov s14;
	v7 =	vand.u32 $0x7F, v7;
	v22 =	vld [tilespmem:s5+$0xFFFFFFF0]  }
0x158: {  	v23 =	vld [tilespmem:s13+$0xFFFFFF10];
	s14 =	simm.s32 $0x5;
	v8 =	vand.u32 $0x7C, v8;
	v10 =	vadd.f32 v10, v6;
	v24 =	vadd.s32 v0, v7  }
0x159: {  	v25 =	vld [tilespmem:s13+$0xFFFFFF50];
	v15 =	vadd.f32 v15, v6;
	s15 =	simm.s32 $0x6;
	v11 =	vadd.f32 v14, v6;
	v14 =	vmov s14  }
0x15a: {  	v27 =	vadd.s32 v0, v8;
	[tilespmem:v16+s23+$0x0] =	vst.idx.msk $0xffff, v10;
	v16 =	vmov s15;
	v10 =	vand.u32 $0x7D, v14;
	v14 =	vld [tilespmem:s13+$0xFFFFFF90]  }
0x15b: {  	[tilespmem:v17+s23+$0x0] =	vst.idx.msk $0xffff, v11;
	v17 =	vadd.s32 v0, v10;
	v11 =	vand.u32 $0x7E, v16;
	v16 =	vadd.f32 v18, v9;
	v18 =	vld [tilespmem:s5+$0xFFFFFF70]  }
0x15c: {  	[tilespmem:v21+s23+$0x0] =	vst.idx.msk $0xffff, v15;
	v15 =	vadd.s32 v0, v11;
	v21 =	vld [tilespmem:s5+$0xFFFFFFB0];
	v22 =	vadd.f32 v22, v5  }
0x15d: {  	v23 =	vadd.f32 v23, v9;
	[tilespmem:v24+s23+$0x0] =	vst.idx.msk $0xffff, v16;
	v16 =	vld [tilespmem:s5+$0xFFFFFF30];
	v24 =	vadd.s32 v2, v19  }
0x15e: {  	v29 =	vadd.s32 v2, v20;
	v25 =	vadd.f32 v25, v9;
	v28 =	vld [tilespmem:s13+$0xFFFFFFE0];
	[tilespmem:v26+s23+$0x0] =	vst.idx.msk $0xffff, v22  }
0x15f: {  	[tilespmem:v27+s23+$0x0] =	vst.idx.msk $0xffff, v23;
	v23 =	vadd.s32 v2, v12;
	v14 =	vadd.f32 v14, v9;
	v26 =	vld [tilespmem:s5+$0x0]  }
0x160: {  	v27 =	vld [tilespmem:s13+$0xFFFFFF20];
	[tilespmem:v17+s23+$0x0] =	vst.idx.msk $0xffff, v25;
	v25 =	vadd.s32 v1, v7;
	v18 =	vadd.f32 v18, v5  }
0x161: {  	v31 =	vadd.s32 v3, v13;
	v30 =	vld [tilespmem:s13+$0xFFFFFF60];
	[tilespmem:v15+s23+$0x0] =	vst.idx.msk $0xffff, v14;
	v14 =	vadd.f32 v21, v5  }
0x162: {  	v22 =	vadd.s32 v1, v8;
	v17 =	vld [tilespmem:s13+$0xFFFFFFA0];
	v13 =	vadd.f32 v16, v5;
	[tilespmem:v24+s23+$0x0] =	vst.idx.msk $0xffff, v18  }
0x163: {  	s15 =	simm.s32 $0x8;
	v21 =	vadd.s32 v1, v10;
	[tilespmem:v29+s23+$0x0] =	vst.idx.msk $0xffff, v14;
	v18 =	vadd.f32 v28, v6;
	v16 =	vld [tilespmem:s5+$0xFFFFFF80]  }
0x164: {  	v24 =	vmov s15;
	v14 =	vadd.s32 v1, v11;
	v15 =	vld [tilespmem:s5+$0xFFFFFFC0];
	[tilespmem:v23+s23+$0x0] =	vst.idx.msk $0xffff, v13;
	v63 =	vadd.f32 v26, v4  }
0x165: {  	s8 =	simm.s32 $0xB;
	s14 =	simm.s32 $0xD8F0;
	v19 =	vadd.s32 v3, v19;
	v13 =	vand.u32 $0x7C, v24;
	v24 =	vadd.f32 v27, v6;
	[tilespmem:v25+s23+$0x0] =	vst.idx.msk $0xffff, v18;
	v18 =	vld [tilespmem:s5+$0xFFFFFF40]  }
0x166: {  	v20 =	vadd.s32 v3, v20;
	v26 =	vmov s8;
	v23 =	vld [tilespmem:s14+$0xFFFFFFD0];
	s5 =	simm.s32 $0xC;
	v25 =	vadd.f32 v30, v6;
	[tilespmem:v31+s23+$0x0] =	vst.idx.msk $0xffff, v63  }
.LBB2_11:
0x167: {  	p1 =	slt.u32 s5, $0x7C;
	s6 =	sadd.s32 $0x1, s15;
	v26 =	vand.u32 $0x7F, v26;
	[tilespmem:v22+s23+$0x0] =	vst.idx.msk $0xffff, v24;
	v17 =	vadd.f32 v17, v6;
	v22 =	vld [tilespmem:s13+$0xFFFFFFF0];
	v24 =	vadd.s32 v3, v12  }
0x168: {  	v30 =	vmovc v11;
	v27 =	vld [tilespmem:s14+$0xFFFFFF10];
	v28 =	vmov s6;
	s6 =	sadd.s32 $0x2, s15;
	v29 =	vadd.s32 v0, v26;
	[tilespmem:v21+s23+$0x0] =	vst.idx.msk $0xffff, v25;
	v16 =	vadd.f32 v16, v4;
	s15 =	smov.u32 s5  }
0x169: {  	v12 =	vmovc v8;
	v21 =	vld [tilespmem:s14+$0xFFFFFF50];
	v11 =	vmov s6;
	[tilespmem:v14+s23+$0x0] =	vst.idx.msk $0xffff, v17;
	v14 =	vadd.s32 v2, v7;
	v15 =	vadd.f32 v15, v4  }
0x16a: {  	v17 =	vadd.s32 v0, v13;
	v28 =	vand.u32 $0x7D, v28;
	v25 =	vld [tilespmem:s14+$0xFFFFFF90];
	v31 =	vadd.f32 v18, v4;
	[tilespmem:v19+s23+$0x0] =	vst.idx.msk $0xffff, v16  }
0x16b: {  	v16 =	vadd.s32 v0, v28;
	v11 =	vand.u32 $0x7E, v11;
	v18 =	vadd.f32 v23, v9;
	v19 =	vld [tilespmem:s13+$0xFFFFFF70];
	[tilespmem:v20+s23+$0x0] =	vst.idx.msk $0xffff, v15  }
0x16c: {  	v8 =	vmov v13;
	v15 =	vadd.s32 v0, v11;
	v20 =	vld [tilespmem:s13+$0xFFFFFFB0];
	v22 =	vadd.f32 v22, v5;
	[tilespmem:v24+s23+$0x0] =	vst.idx.msk $0xffff, v31  }
0x16d: {  	v23 =	vadd.s32 v2, v10;
	v13 =	vadd.f32 v27, v9;
	[tilespmem:v29+s23+$0x0] =	vst.idx.msk $0xffff, v18;
	v18 =	vld [tilespmem:s13+$0xFFFFFF30]  }
0x16e: {  	v27 =	vadd.s32 v2, v30;
	v21 =	vadd.f32 v21, v9;
	v24 =	vld [tilespmem:s14+$0xFFFFFFE0];
	[tilespmem:v14+s23+$0x0] =	vst.idx.msk $0xffff, v22  }
0x16f: {  	[tilespmem:v17+s23+$0x0] =	vst.idx.msk $0xffff, v13;
	v13 =	vadd.f32 v25, v9;
	v25 =	vadd.s32 v2, v12;
	v29 =	vld [tilespmem:s13+$0x0]  }
0x170: {  	v32 =	vadd.s32 v1, v26;
	v31 =	vld [tilespmem:s14+$0xFFFFFF20];
	[tilespmem:v16+s23+$0x0] =	vst.idx.msk $0xffff, v21;
	v14 =	vadd.f32 v19, v5  }
0x171: {  	v34 =	vadd.s32 v3, v7;
	v7 =	vmov v26;
	v33 =	vld [tilespmem:s14+$0xFFFFFF60];
	[tilespmem:v15+s23+$0x0] =	vst.idx.msk $0xffff, v13;
	v13 =	vadd.f32 v20, v5  }
.Ltmp6:
0x172: {  	v22 =	vadd.s32 v1, v8;
	v17 =	vld [tilespmem:s14+$0xFFFFFFA0];
	v15 =	vadd.f32 v18, v5;
	[tilespmem:v23+s23+$0x0] =	vst.idx.msk $0xffff, v14;
	(pc) =	sbr.rel @p1 .LBB2_11-.Ltmp6, $4  }
0x173: {  	v21 =	vadd.s32 v1, v28;
	v18 =	vadd.f32 v24, v6;
	v16 =	vld [tilespmem:s13+$0xFFFFFF80];
	[tilespmem:v27+s23+$0x0] =	vst.idx.msk $0xffff, v13  }
0x174: {  	v14 =	vadd.s32 v1, v11;
	v13 =	vmov s5;
	[tilespmem:v25+s23+$0x0] =	vst.idx.msk $0xffff, v15;
	v15 =	vld [tilespmem:s13+$0xFFFFFFC0];
	v27 =	vadd.f32 v29, v4  }
0x175: {  	s6 =	sadd.s32 $0x3, s5;
	v19 =	vadd.s32 v3, v10;
	v13 =	vand.u32 $0x7C, v13;
	v24 =	vadd.f32 v31, v6;
	[tilespmem:v32+s23+$0x0] =	vst.idx.msk $0xffff, v18;
	v18 =	vld [tilespmem:s13+$0xFFFFFF40];
	s13 =	smov.u32 s14;
	s14 =	sadd.s32 $0x100, s14  }
0x176: {  	v26 =	vmov s6;
	v10 =	vmovc v28;
	v20 =	vadd.s32 v3, v30;
	s5 =	sadd.s32 $0x4, s5;
	v23 =	vld [tilespmem:s14+$0xFFFFFFD0];
	v25 =	vadd.f32 v33, v6;
	[tilespmem:v34+s23+$0x0] =	vst.idx.msk $0xffff, v27  }
0x177: {  	s5 =	sadd.s32 $0x1, s15  }
0x178: {  	v26 =	vand.u32 $0x7F, v26;
	s6 =	sadd.s32 $0x2, s15;
	v28 =	vld [tilespmem:s14+$0xFFFFFF50];
	v27 =	vmov s5  }
0x179: {  	v31 =	vld [tilespmem:s14+$0xFFFFFF90];
	v29 =	vadd.s32 v0, v26;
	v30 =	vmov s6;
	v27 =	vand.u32 $0x7D, v27  }
0x17a: {  	v32 =	vld [tilespmem:s14+$0xFFFFFF10];
	v30 =	vand.u32 $0x7E, v30;
	v33 =	vadd.s32 v0, v27  }
0x17b: {  	v34 =	vadd.s32 v0, v30  }
0x17c: {  	[tilespmem:v22+s23+$0x0] =	vst.idx.msk $0xffff, v24;
	v44 =	vadd.s32 v0, v13;
	v23 =	vadd.f32 v23, v9  }
0x17d: {  	[tilespmem:v21+s23+$0x0] =	vst.idx.msk $0xffff, v25;
	v45 =	vadd.f32 v28, v9  }
0x17e: {  	v46 =	vadd.f32 v31, v9;
	[tilespmem:v29+s23+$0x0] =	vst.idx.msk $0xffff, v23  }
0x17f: {  	v47 =	vadd.f32 v32, v9;
	v48 =	vld [tilespmem:s14+$0xFFFFFFE0];
	[tilespmem:v33+s23+$0x0] =	vst.idx.msk $0xffff, v45  }
0x180: {  	v17 =	vadd.f32 v17, v6;
	v12 =	vadd.s32 v3, v12;
	[tilespmem:v34+s23+$0x0] =	vst.idx.msk $0xffff, v46;
	v21 =	vld [tilespmem:s14+$0xFFFFFF60]  }
0x181: {  	v16 =	vadd.f32 v16, v4;
	v49 =	vadd.s32 v1, v26;
	[tilespmem:v44+s23+$0x0] =	vst.idx.msk $0xffff, v47;
	v50 =	vld [tilespmem:s14+$0xFFFFFFA0]  }
0x182: {  	[tilespmem:v14+s23+$0x0] =	vst.idx.msk $0xffff, v17;
	v51 =	vadd.f32 v15, v4;
	v53 =	vadd.s32 v1, v27;
	v52 =	vld [tilespmem:s14+$0xFFFFFF20]  }
0x183: {  	v54 =	vld [tilespmem:s13+$0xFFFFFFF0];
	v18 =	vadd.f32 v18, v4;
	[tilespmem:v19+s23+$0x0] =	vst.idx.msk $0xffff, v16;
	v55 =	vadd.s32 v1, v30  }
0x184: {  	v57 =	vadd.s32 v1, v13;
	v60 =	vld [tilespmem:s13+$0xFFFFFFB0];
	[tilespmem:v20+s23+$0x0] =	vst.idx.msk $0xffff, v51;
	v58 =	vadd.f32 v48, v6  }
0x185: {  	v59 =	vadd.s32 v2, v7;
	v56 =	vld [tilespmem:s13+$0xFFFFFF70];
	[tilespmem:v12+s23+$0x0] =	vst.idx.msk $0xffff, v18;
	v61 =	vadd.f32 v21, v6  }
0x186: {  	v62 =	vld [tilespmem:s13+$0xFFFFFF30];
	v29 =	vadd.s32 v2, v11;
	[tilespmem:v49+s23+$0x0] =	vst.idx.msk $0xffff, v58;
	v28 =	vadd.f32 v50, v6  }
0x187: {  	v63 =	vadd.s32 v2, v10;
	v31 =	vadd.f32 v52, v6;
	v32 =	vld [tilespmem:s14+$0xFFFFFFF0];
	[tilespmem:v53+s23+$0x0] =	vst.idx.msk $0xffff, v61  }
0x188: {  	v33 =	vadd.f32 v54, v5;
	v34 =	vadd.s32 v2, v8;
	[tilespmem:v55+s23+$0x0] =	vst.idx.msk $0xffff, v28;
	v35 =	vld [tilespmem:s14+$0xFFFFFF70]  }
0x189: {  	v37 =	vadd.s32 v2, v26;
	v39 =	vadd.f32 v60, v5;
	[tilespmem:v57+s23+$0x0] =	vst.idx.msk $0xffff, v31;
	v38 =	vld [tilespmem:s14+$0xFFFFFFB0]  }
0x18a: {  	v41 =	vadd.s32 v2, v27;
	v36 =	vadd.f32 v56, v5;
	[tilespmem:v59+s23+$0x0] =	vst.idx.msk $0xffff, v33;
	v40 =	vld [tilespmem:s14+$0xFFFFFF30]  }
0x18b: {  	v43 =	vadd.s32 v2, v30;
	v18 =	vadd.f32 v62, v5;
	v42 =	vld [tilespmem:s13+$0x0];
	[tilespmem:v29+s23+$0x0] =	vst.idx.msk $0xffff, v39  }
0x18c: {  	v45 =	vadd.s32 v2, v13;
	[tilespmem:v63+s23+$0x0] =	vst.idx.msk $0xffff, v36;
	v47 =	vld [tilespmem:s13+$0xFFFFFFC0];
	v44 =	vadd.f32 v32, v5  }
0x18d: {  	v46 =	vadd.s32 v3, v7;
	[tilespmem:v34+s23+$0x0] =	vst.idx.msk $0xffff, v18;
	v21 =	vld [tilespmem:s13+$0xFFFFFF80];
	v9 =	vadd.f32 v35, v5  }
0x18e: {  	v18 =	vld [tilespmem:s13+$0xFFFFFF40];
	v50 =	vadd.s32 v3, v11;
	[tilespmem:v37+s23+$0x0] =	vst.idx.msk $0xffff, v44;
	v49 =	vadd.f32 v38, v5  }
0x18f: {  	v48 =	vadd.s32 v3, v10;
	v5 =	vadd.f32 v40, v5;
	v12 =	vld [tilespmem:s14+$0x0];
	[tilespmem:v41+s23+$0x0] =	vst.idx.msk $0xffff, v9  }
0x190: {  	v52 =	vadd.s32 v3, v8;
	v51 =	vadd.f32 v42, v4;
	[tilespmem:v43+s23+$0x0] =	vst.idx.msk $0xffff, v49;
	v53 =	vld [tilespmem:s14+$0xFFFFFF80]  }
0x191: {  	v55 =	vadd.s32 v3, v26;
	v56 =	vadd.f32 v47, v4;
	[tilespmem:v45+s23+$0x0] =	vst.idx.msk $0xffff, v5;
	v5 =	vld [tilespmem:s14+$0xFFFFFFC0]  }
0x192: {  	v58 =	vadd.s32 v3, v27;
	[tilespmem:v46+s23+$0x0] =	vst.idx.msk $0xffff, v51;
	v54 =	vadd.f32 v21, v4;
	v57 =	vld [tilespmem:s14+$0xFFFFFF40]  }
0x193: {  	v60 =	vadd.s32 v3, v30;
	v59 =	vadd.f32 v18, v4;
	[tilespmem:v50+s23+$0x0] =	vst.idx.msk $0xffff, v56  }
0x194: {  	v62 =	vadd.s32 v3, v13;
	[tilespmem:v48+s23+$0x0] =	vst.idx.msk $0xffff, v54;
	v61 =	vadd.f32 v12, v4  }
0x195: {  	[tilespmem:v52+s23+$0x0] =	vst.idx.msk $0xffff, v59;
	v63 =	vadd.f32 v53, v4  }
0x196: {  	s8 =	sshll.u32 s10, $0x12;
	[tilespmem:v55+s23+$0x0] =	vst.idx.msk $0xffff, v61;
	v5 =	vadd.f32 v5, v4  }
0x197: {  	s5 =	sor.u32 s7, s8;
	v4 =	vadd.f32 v57, v4;
	[tilespmem:v58+s23+$0x0] =	vst.idx.msk $0xffff, v63  }
0x198: {  	s5 =	sshrl.u32 s5, $0x3;
	[tilespmem:v60+s23+$0x0] =	vst.idx.msk $0xffff, v5  }
0x199: {  	s10 =	simm.s32 $0x15E00;
	s6 =	sadd.s32 s2, s5;
	[tilespmem:v62+s23+$0x0] =	vst.idx.msk $0xffff, v4  }
0x19a: {  	[hbm4b:s6+s3] =	stream.linear.scatter [tilespmem:s10], [sflag:$0x7], $0x80, $0x38;
	[tilespmem:$0x1A600] =	vst v63  }
0x19b: {  	s8 =	sadd.s32 $0x10, s6;
	s13 =	simm.s32 $0x15E90  }
0x19c: {  	[hbm4b:s8+s3] =	stream.linear.scatter [tilespmem:s13], [sflag:$0x7], $0x80, $0x38;
	[tilespmem:$0x1A600] =	vst v63  }
0x19d: {  	s15 =	sadd.s32 $0x20, s6;
	s14 =	simm.s32 $0x15F20  }
0x19e: {  	[hbm4b:s15+s3] =	stream.linear.scatter [tilespmem:s14], [sflag:$0x7], $0x80, $0x38;
	[tilespmem:$0x1A600] =	vst v63  }
0x19f: {  	s10 =	simm.s32 $0x15FB0;
	s13 =	sadd.s32 $0x30, s6  }
0x1a0: {  	[hbm4b:s13+s3] =	stream.linear.scatter [tilespmem:s10], [sflag:$0x7], $0x80, $0x38;
	[tilespmem:$0x1A600] =	vst v63  }
0x1a1: {  	s14 =	simm.s32 $0x16040;
	s15 =	sadd.s32 $0x40, s6  }
0x1a2: {  	[hbm4b:s15+s3] =	stream.linear.scatter [tilespmem:s14], [sflag:$0x7], $0x80, $0x38;
	[tilespmem:$0x1A600] =	vst v63  }
0x1a3: {  	s5 =	simm.s32 $0x480;
	s10 =	simm.s32 $0x160D0;
	s13 =	sadd.s32 $0x50, s6  }
0x1a4: {  	[hbm4b:s13+s3] =	stream.linear.scatter [tilespmem:s10], [sflag:$0x7], $0x80, $0x38;
	[tilespmem:$0x1A600] =	vst v63  }
0x1a5: {  	s14 =	simm.s32 $0x16160;
	s15 =	sadd.s32 $0x60, s6;
	s13 =	simm.s32 $0x2400  }
0x1a6: {  	[hbm4b:s15+s3] =	stream.linear.scatter [tilespmem:s14], [sflag:$0x7], $0x80, $0x38;
	[tilespmem:$0x1A600] =	vst v63  }
0x1a7: {  	s10 =	sadd.s32 $0x1000, s6;
	s14 =	simm.s32 $0x161F0;
	s15 =	sadd.s32 $0x70, s6  }
.LBB2_13:
0x1a8: {  	[hbm4b:s15+s3] =	stream.linear.scatter [tilespmem:s14], [sflag:$0x7], $0x80, $0x38;
	[tilespmem:$0x1A600] =	vst v63  }
0x1a9: {  	s6 =	smov.u32 s5;
	s5 =	smov.u32 s13  }
0x1aa: {  	s8 =	sadd.s32 $0x1200, s13;
	s5 =	sshra.s32 s5, $0x2;
	s14 =	sadd.s32 $0x15E00, s6  }
0x1ab: {  	[hbm4b:s10+s3] =	stream.linear.scatter [tilespmem:s14], [sflag:$0x7], $0x80, $0x38;
	[tilespmem:$0x1A600] =	vst v63  }
0x1ac: {  	p1 =	sne.s32 s13, $0x7E00;
	s13 =	sadd.s32 $0x15E90, s6;
	s14 =	sadd.s32 $0x10, s10  }
0x1ad: {  	[hbm4b:s14+s3] =	stream.linear.scatter [tilespmem:s13], [sflag:$0x7], $0x80, $0x38;
	[tilespmem:$0x1A600] =	vst v63  }
0x1ae: {  	s13 =	sadd.s32 $0x15F20, s6;
	s14 =	sadd.s32 $0x20, s10  }
0x1af: {  	[hbm4b:s14+s3] =	stream.linear.scatter [tilespmem:s13], [sflag:$0x7], $0x80, $0x38;
	[tilespmem:$0x1A600] =	vst v63  }
0x1b0: {  	s13 =	sadd.s32 $0x15FB0, s6;
	s14 =	sadd.s32 $0x30, s10  }
0x1b1: {  	[hbm4b:s14+s3] =	stream.linear.scatter [tilespmem:s13], [sflag:$0x7], $0x80, $0x38;
	[tilespmem:$0x1A600] =	vst v63  }
0x1b2: {  	s13 =	sadd.s32 $0x16040, s6;
	s14 =	sadd.s32 $0x40, s10  }
0x1b3: {  	[hbm4b:s14+s3] =	stream.linear.scatter [tilespmem:s13], [sflag:$0x7], $0x80, $0x38;
	[tilespmem:$0x1A600] =	vst v63  }
.Ltmp7:
0x1b4: {  	s13 =	sadd.s32 $0x160D0, s6;
	s14 =	sadd.s32 $0x50, s10;
	(pc) =	sbr.rel @p1 .LBB2_13-.Ltmp7, $4  }
0x1b5: {  	[hbm4b:s14+s3] =	stream.linear.scatter [tilespmem:s13], [sflag:$0x7], $0x80, $0x38;
	[tilespmem:$0x1A600] =	vst v63  }
0x1b6: {  	s15 =	sadd.s32 $0x70, s10;
	s13 =	sadd.s32 $0x16160, s6;
	s14 =	sadd.s32 $0x60, s10  }
0x1b7: {  	[hbm4b:s14+s3] =	stream.linear.scatter [tilespmem:s13], [sflag:$0x7], $0x80, $0x38;
	[tilespmem:$0x1A600] =	vst v63  }
0x1b8: {  	s10 =	sadd.s32 $0x1000, s10;
	s14 =	sadd.s32 $0x161F0, s6;
	s13 =	smov.u32 s8  }
0x1b9: {  	[hbm4b:s15+s3] =	stream.linear.scatter [tilespmem:s14], [sflag:$0x7], $0x80, $0x38;
	[tilespmem:$0x1A600] =	vst v63  }
0x1ba: {  	s6 =	sadd.s32 $0x15E00, s5  }
0x1bb: {  	[hbm4b:s10+s3] =	stream.linear.scatter [tilespmem:s6], [sflag:$0x7], $0x80, $0x38;
	[tilespmem:$0x1A600] =	vst v63  }
0x1bc: {  	s13 =	sadd.s32 $0x15E90, s5;
	s8 =	sadd.s32 $0x10, s10  }
0x1bd: {  	[hbm4b:s8+s3] =	stream.linear.scatter [tilespmem:s13], [sflag:$0x7], $0x80, $0x38;
	[tilespmem:$0x1A600] =	vst v63  }
0x1be: {  	s14 =	sadd.s32 $0x15F20, s5;
	s15 =	sadd.s32 $0x20, s10  }
0x1bf: {  	[hbm4b:s15+s3] =	stream.linear.scatter [tilespmem:s14], [sflag:$0x7], $0x80, $0x38;
	[tilespmem:$0x1A600] =	vst v63  }
0x1c0: {  	s8 =	sadd.s32 $0x15FB0, s5;
	s13 =	sadd.s32 $0x30, s10  }
0x1c1: {  	[hbm4b:s13+s3] =	stream.linear.scatter [tilespmem:s8], [sflag:$0x7], $0x80, $0x38;
	[tilespmem:$0x1A600] =	vst v63  }
0x1c2: {  	s14 =	sadd.s32 $0x16040, s5;
	s15 =	sadd.s32 $0x40, s10  }
0x1c3: {  	[hbm4b:s15+s3] =	stream.linear.scatter [tilespmem:s14], [sflag:$0x7], $0x80, $0x38;
	[tilespmem:$0x1A600] =	vst v63  }
0x1c4: {  	s8 =	sadd.s32 $0x160D0, s5;
	s13 =	sadd.s32 $0x50, s10  }
0x1c5: {  	[hbm4b:s13+s3] =	stream.linear.scatter [tilespmem:s8], [sflag:$0x7], $0x80, $0x38;
	[tilespmem:$0x1A600] =	vst v63  }
0x1c6: {  	s14 =	sadd.s32 $0x16160, s5;
	s15 =	sadd.s32 $0x60, s10  }
0x1c7: {  	[hbm4b:s15+s3] =	stream.linear.scatter [tilespmem:s14], [sflag:$0x7], $0x80, $0x38;
	[tilespmem:$0x1A600] =	vst v63  }
0x1c8: {  	s6 =	sadd.s32 $0x161F0, s5;
	s5 =	simm.s32 @!p0 $0x6;
	s8 =	sadd.s32 $0x70, s10  }
0x1c9: {  	[hbm4b:s8+s3] =	stream.linear.scatter [tilespmem:s6], [sflag:$0x7], $0x80, $0x38;
	[tilespmem:$0x1A600] =	vst v63  }
0x1ca: {  	_ =	swait.ge @!p0 [sflag:s5], $0x2000  }
0x1cb: {  	s6 =	simm.s32 @!p0 $0x80;
	[sflag:s5] =	ssyncset.done @!p0 $0x0  }
0x1cc: {  	s8 =	simm.s32 @!p0 $0xB600;
	[sflag:s5] =	ssyncadd.s32 @!p0 $0xFFFFE000;
	s5 =	sadd.s32 @!p0 $0x280, s12  }
0x1cd: {  	[tilespmem:s8], [sflag:$0x2] =	stream.indirect.gather @!p0 [hbm4b:s4+s6], $0x40, s5, s6, $0xb8;
	[tilespmem:$0x1A600] =	vst v63  }
0x1ce: {  	_ =	swait.ge [sflag:s24], $0x2000  }
0x1cf: {  	s10 =	sshll.u32 s1, $0x6;
	[sflag:s24] =	ssyncset.done $0x0  }
0x1d0: {  	s6 =	sand.u32 $0x3FFFFFC0, s10;
	[sflag:s24] =	ssyncadd.s32 $0xFFFFE000  }
0x1d1: {  	s12 =	simm.s32 $0x3;
	s5 =	simm.s32 $0xF6F0;
	v9 =	vld [tilespmem:s6+$0x6400]  }
0x1d2: {  	v4 =	vmov s12;
	v7 =	vld [tilespmem:s5+$0xFFFFFFD0]  }
0x1d3: {  	v13 =	vand.u32 $0x7F, v4  }
0x1d4: {  	s13 =	simm.s32 $0x0;
	v8 =	vadd.s32 v0, v13;
	v6 =	vld [tilespmem:s6+$0x6410]  }
0x1d5: {  	s14 =	simm.s32 $0x1;
	s15 =	simm.s32 $0x2;
	v4 =	vmov s13;
	v10 =	vld [tilespmem:s5+$0xFFFFFF10]  }
0x1d6: {  	v14 =	vmov s15;
	v12 =	vand.u32 $0x7C, v4;
	v4 =	vmov s14;
	v11 =	vld [tilespmem:s5+$0xFFFFFF50]  }
0x1d7: {  	v15 =	vadd.s32 v0, v12;
	v19 =	vand.u32 $0x7D, v4;
	v16 =	vld [tilespmem:s5+$0xFFFFFF90];
	v7 =	vadd.f32 v7, v9  }
0x1d8: {  	v20 =	vand.u32 $0x7E, v14;
	v5 =	vld [tilespmem:s6+$0x6420];
	v17 =	vadd.s32 v0, v19  }
0x1d9: {  	v14 =	vadd.s32 v0, v20;
	v4 =	vld [tilespmem:s6+$0x6430];
	[tilespmem:v8+s25+$0x0] =	vst.idx.msk $0xffff, v7  }
0x1da: {  	v7 =	vadd.f32 v10, v9;
	v8 =	vld [tilespmem:s5+$0xFFFFFFE0]  }
0x1db: {  	v10 =	vadd.f32 v11, v9  }
0x1dc: {  	v11 =	vadd.s32 v1, v13;
	[tilespmem:v15+s25+$0x0] =	vst.idx.msk $0xffff, v7;
	v7 =	vadd.f32 v16, v9  }
0x1dd: {  	[tilespmem:v17+s25+$0x0] =	vst.idx.msk $0xffff, v10;
	v15 =	vld [tilespmem:s5+$0xFFFFFF20]  }
0x1de: {  	v10 =	vld [tilespmem:s5+$0xFFFFFF60];
	[tilespmem:v14+s25+$0x0] =	vst.idx.msk $0xffff, v7  }
0x1df: {  	v14 =	vld [tilespmem:s5+$0xFFFFFFA0];
	v7 =	vadd.f32 v8, v6  }
0x1e0: {  	s12 =	simm.s32 $0x7;
	s10 =	simm.s32 $0xF7F0;
	v16 =	vadd.s32 v1, v19  }
0x1e1: {  	s8 =	simm.s32 $0x4;
	v26 =	vadd.s32 v2, v13;
	v18 =	vld [tilespmem:s10+$0xFFFFFFD0];
	v17 =	vadd.s32 v1, v20;
	[tilespmem:v11+s25+$0x0] =	vst.idx.msk $0xffff, v7;
	v7 =	vmov s12  }
0x1e2: {  	v21 =	vadd.s32 v1, v12;
	v8 =	vmov s8;
	v7 =	vand.u32 $0x7F, v7;
	v22 =	vld [tilespmem:s5+$0xFFFFFFF0]  }
0x1e3: {  	s13 =	simm.s32 $0x5;
	v23 =	vld [tilespmem:s10+$0xFFFFFF10];
	v8 =	vand.u32 $0x7C, v8;
	v10 =	vadd.f32 v10, v6;
	v24 =	vadd.s32 v0, v7  }
0x1e4: {  	s14 =	simm.s32 $0x6;
	v25 =	vld [tilespmem:s10+$0xFFFFFF50];
	v15 =	vadd.f32 v15, v6;
	v11 =	vadd.f32 v14, v6;
	v14 =	vmov s13  }
0x1e5: {  	v27 =	vadd.s32 v0, v8;
	[tilespmem:v16+s25+$0x0] =	vst.idx.msk $0xffff, v10;
	v16 =	vmov s14;
	v10 =	vand.u32 $0x7D, v14;
	v14 =	vld [tilespmem:s10+$0xFFFFFF90]  }
0x1e6: {  	[tilespmem:v17+s25+$0x0] =	vst.idx.msk $0xffff, v11;
	v17 =	vadd.s32 v0, v10;
	v11 =	vand.u32 $0x7E, v16;
	v16 =	vadd.f32 v18, v9;
	v18 =	vld [tilespmem:s5+$0xFFFFFF70]  }
0x1e7: {  	[tilespmem:v21+s25+$0x0] =	vst.idx.msk $0xffff, v15;
	v15 =	vadd.s32 v0, v11;
	v21 =	vld [tilespmem:s5+$0xFFFFFFB0];
	v22 =	vadd.f32 v22, v5  }
0x1e8: {  	v23 =	vadd.f32 v23, v9;
	[tilespmem:v24+s25+$0x0] =	vst.idx.msk $0xffff, v16;
	v16 =	vld [tilespmem:s5+$0xFFFFFF30];
	v24 =	vadd.s32 v2, v19  }
0x1e9: {  	v29 =	vadd.s32 v2, v20;
	v25 =	vadd.f32 v25, v9;
	v28 =	vld [tilespmem:s10+$0xFFFFFFE0];
	[tilespmem:v26+s25+$0x0] =	vst.idx.msk $0xffff, v22  }
0x1ea: {  	[tilespmem:v27+s25+$0x0] =	vst.idx.msk $0xffff, v23;
	v23 =	vadd.s32 v2, v12;
	v14 =	vadd.f32 v14, v9;
	v26 =	vld [tilespmem:s5+$0x0]  }
0x1eb: {  	v27 =	vld [tilespmem:s10+$0xFFFFFF20];
	[tilespmem:v17+s25+$0x0] =	vst.idx.msk $0xffff, v25;
	v25 =	vadd.s32 v1, v7;
	v18 =	vadd.f32 v18, v5  }
0x1ec: {  	v31 =	vadd.s32 v3, v13;
	v30 =	vld [tilespmem:s10+$0xFFFFFF60];
	[tilespmem:v15+s25+$0x0] =	vst.idx.msk $0xffff, v14;
	v14 =	vadd.f32 v21, v5  }
0x1ed: {  	v22 =	vadd.s32 v1, v8;
	v17 =	vld [tilespmem:s10+$0xFFFFFFA0];
	v13 =	vadd.f32 v16, v5;
	[tilespmem:v24+s25+$0x0] =	vst.idx.msk $0xffff, v18  }
0x1ee: {  	s13 =	simm.s32 $0x8;
	v21 =	vadd.s32 v1, v10;
	[tilespmem:v29+s25+$0x0] =	vst.idx.msk $0xffff, v14;
	v18 =	vadd.f32 v28, v6;
	v16 =	vld [tilespmem:s5+$0xFFFFFF80]  }
0x1ef: {  	v24 =	vmov s13;
	v14 =	vadd.s32 v1, v11;
	v15 =	vld [tilespmem:s5+$0xFFFFFFC0];
	[tilespmem:v23+s25+$0x0] =	vst.idx.msk $0xffff, v13;
	v63 =	vadd.f32 v26, v4  }
0x1f0: {  	s15 =	simm.s32 $0xB;
	s12 =	simm.s32 $0xF8F0;
	v19 =	vadd.s32 v3, v19;
	v13 =	vand.u32 $0x7C, v24;
	v24 =	vadd.f32 v27, v6;
	[tilespmem:v25+s25+$0x0] =	vst.idx.msk $0xffff, v18;
	v18 =	vld [tilespmem:s5+$0xFFFFFF40]  }
0x1f1: {  	v20 =	vadd.s32 v3, v20;
	v26 =	vmov s15;
	v23 =	vld [tilespmem:s12+$0xFFFFFFD0];
	s5 =	simm.s32 $0xC;
	v25 =	vadd.f32 v30, v6;
	[tilespmem:v31+s25+$0x0] =	vst.idx.msk $0xffff, v63  }
.LBB2_15:
0x1f2: {  	p1 =	slt.u32 s5, $0x7C;
	s6 =	sadd.s32 $0x1, s13;
	v26 =	vand.u32 $0x7F, v26;
	[tilespmem:v22+s25+$0x0] =	vst.idx.msk $0xffff, v24;
	v17 =	vadd.f32 v17, v6;
	v22 =	vld [tilespmem:s10+$0xFFFFFFF0];
	v24 =	vadd.s32 v3, v12  }
0x1f3: {  	v30 =	vmovc v11;
	v27 =	vld [tilespmem:s12+$0xFFFFFF10];
	v28 =	vmov s6;
	s6 =	sadd.s32 $0x2, s13;
	v29 =	vadd.s32 v0, v26;
	[tilespmem:v21+s25+$0x0] =	vst.idx.msk $0xffff, v25;
	v16 =	vadd.f32 v16, v4;
	s13 =	smov.u32 s5  }
0x1f4: {  	v12 =	vmovc v8;
	v21 =	vld [tilespmem:s12+$0xFFFFFF50];
	v11 =	vmov s6;
	[tilespmem:v14+s25+$0x0] =	vst.idx.msk $0xffff, v17;
	v14 =	vadd.s32 v2, v7;
	v15 =	vadd.f32 v15, v4  }
0x1f5: {  	v17 =	vadd.s32 v0, v13;
	v28 =	vand.u32 $0x7D, v28;
	v25 =	vld [tilespmem:s12+$0xFFFFFF90];
	v31 =	vadd.f32 v18, v4;
	[tilespmem:v19+s25+$0x0] =	vst.idx.msk $0xffff, v16  }
0x1f6: {  	v16 =	vadd.s32 v0, v28;
	v11 =	vand.u32 $0x7E, v11;
	v18 =	vadd.f32 v23, v9;
	v19 =	vld [tilespmem:s10+$0xFFFFFF70];
	[tilespmem:v20+s25+$0x0] =	vst.idx.msk $0xffff, v15  }
0x1f7: {  	v8 =	vmov v13;
	v15 =	vadd.s32 v0, v11;
	v20 =	vld [tilespmem:s10+$0xFFFFFFB0];
	v22 =	vadd.f32 v22, v5;
	[tilespmem:v24+s25+$0x0] =	vst.idx.msk $0xffff, v31  }
0x1f8: {  	v23 =	vadd.s32 v2, v10;
	v13 =	vadd.f32 v27, v9;
	[tilespmem:v29+s25+$0x0] =	vst.idx.msk $0xffff, v18;
	v18 =	vld [tilespmem:s10+$0xFFFFFF30]  }
0x1f9: {  	v27 =	vadd.s32 v2, v30;
	v21 =	vadd.f32 v21, v9;
	v24 =	vld [tilespmem:s12+$0xFFFFFFE0];
	[tilespmem:v14+s25+$0x0] =	vst.idx.msk $0xffff, v22  }
0x1fa: {  	[tilespmem:v17+s25+$0x0] =	vst.idx.msk $0xffff, v13;
	v13 =	vadd.f32 v25, v9;
	v25 =	vadd.s32 v2, v12;
	v29 =	vld [tilespmem:s10+$0x0]  }
0x1fb: {  	v32 =	vadd.s32 v1, v26;
	v31 =	vld [tilespmem:s12+$0xFFFFFF20];
	[tilespmem:v16+s25+$0x0] =	vst.idx.msk $0xffff, v21;
	v14 =	vadd.f32 v19, v5  }
0x1fc: {  	v34 =	vadd.s32 v3, v7;
	v7 =	vmov v26;
	v33 =	vld [tilespmem:s12+$0xFFFFFF60];
	[tilespmem:v15+s25+$0x0] =	vst.idx.msk $0xffff, v13;
	v13 =	vadd.f32 v20, v5  }
.Ltmp8:
0x1fd: {  	v22 =	vadd.s32 v1, v8;
	v17 =	vld [tilespmem:s12+$0xFFFFFFA0];
	v15 =	vadd.f32 v18, v5;
	[tilespmem:v23+s25+$0x0] =	vst.idx.msk $0xffff, v14;
	(pc) =	sbr.rel @p1 .LBB2_15-.Ltmp8, $4  }
0x1fe: {  	v21 =	vadd.s32 v1, v28;
	v18 =	vadd.f32 v24, v6;
	v16 =	vld [tilespmem:s10+$0xFFFFFF80];
	[tilespmem:v27+s25+$0x0] =	vst.idx.msk $0xffff, v13  }
0x1ff: {  	v14 =	vadd.s32 v1, v11;
	v13 =	vmov s5;
	[tilespmem:v25+s25+$0x0] =	vst.idx.msk $0xffff, v15;
	v15 =	vld [tilespmem:s10+$0xFFFFFFC0];
	v27 =	vadd.f32 v29, v4  }
0x200: {  	s6 =	sadd.s32 $0x3, s5;
	v19 =	vadd.s32 v3, v10;
	v13 =	vand.u32 $0x7C, v13;
	v24 =	vadd.f32 v31, v6;
	[tilespmem:v32+s25+$0x0] =	vst.idx.msk $0xffff, v18;
	v18 =	vld [tilespmem:s10+$0xFFFFFF40];
	s10 =	smov.u32 s12;
	s12 =	sadd.s32 $0x100, s12  }
0x201: {  	v26 =	vmov s6;
	v10 =	vmovc v28;
	v20 =	vadd.s32 v3, v30;
	s5 =	sadd.s32 $0x4, s5;
	v23 =	vld [tilespmem:s12+$0xFFFFFFD0];
	v25 =	vadd.f32 v33, v6;
	[tilespmem:v34+s25+$0x0] =	vst.idx.msk $0xffff, v27  }
0x202: {  	s5 =	sadd.s32 $0x1, s13  }
0x203: {  	v26 =	vand.u32 $0x7F, v26;
	s6 =	sadd.s32 $0x2, s13;
	v28 =	vld [tilespmem:s12+$0xFFFFFF50];
	v27 =	vmov s5  }
0x204: {  	v31 =	vld [tilespmem:s12+$0xFFFFFF90];
	v29 =	vadd.s32 v0, v26;
	v30 =	vmov s6;
	v27 =	vand.u32 $0x7D, v27  }
0x205: {  	v32 =	vld [tilespmem:s12+$0xFFFFFF10];
	v30 =	vand.u32 $0x7E, v30;
	v33 =	vadd.s32 v0, v27  }
0x206: {  	v34 =	vadd.s32 v0, v30  }
0x207: {  	[tilespmem:v22+s25+$0x0] =	vst.idx.msk $0xffff, v24;
	v44 =	vadd.s32 v0, v13;
	v23 =	vadd.f32 v23, v9  }
0x208: {  	[tilespmem:v21+s25+$0x0] =	vst.idx.msk $0xffff, v25;
	v45 =	vadd.f32 v28, v9  }
0x209: {  	v46 =	vadd.f32 v31, v9;
	[tilespmem:v29+s25+$0x0] =	vst.idx.msk $0xffff, v23  }
0x20a: {  	v47 =	vadd.f32 v32, v9;
	v48 =	vld [tilespmem:s12+$0xFFFFFFE0];
	[tilespmem:v33+s25+$0x0] =	vst.idx.msk $0xffff, v45  }
0x20b: {  	v17 =	vadd.f32 v17, v6;
	v12 =	vadd.s32 v3, v12;
	[tilespmem:v34+s25+$0x0] =	vst.idx.msk $0xffff, v46;
	v21 =	vld [tilespmem:s12+$0xFFFFFF60]  }
0x20c: {  	v16 =	vadd.f32 v16, v4;
	v49 =	vadd.s32 v1, v26;
	[tilespmem:v44+s25+$0x0] =	vst.idx.msk $0xffff, v47;
	v50 =	vld [tilespmem:s12+$0xFFFFFFA0]  }
0x20d: {  	[tilespmem:v14+s25+$0x0] =	vst.idx.msk $0xffff, v17;
	v51 =	vadd.f32 v15, v4;
	v53 =	vadd.s32 v1, v27;
	v52 =	vld [tilespmem:s12+$0xFFFFFF20]  }
0x20e: {  	v54 =	vld [tilespmem:s10+$0xFFFFFFF0];
	v18 =	vadd.f32 v18, v4;
	[tilespmem:v19+s25+$0x0] =	vst.idx.msk $0xffff, v16;
	v55 =	vadd.s32 v1, v30  }
0x20f: {  	v57 =	vadd.s32 v1, v13;
	v60 =	vld [tilespmem:s10+$0xFFFFFFB0];
	[tilespmem:v20+s25+$0x0] =	vst.idx.msk $0xffff, v51;
	v58 =	vadd.f32 v48, v6  }
0x210: {  	v59 =	vadd.s32 v2, v7;
	v56 =	vld [tilespmem:s10+$0xFFFFFF70];
	[tilespmem:v12+s25+$0x0] =	vst.idx.msk $0xffff, v18;
	v61 =	vadd.f32 v21, v6  }
0x211: {  	v62 =	vld [tilespmem:s10+$0xFFFFFF30];
	v29 =	vadd.s32 v2, v11;
	[tilespmem:v49+s25+$0x0] =	vst.idx.msk $0xffff, v58;
	v28 =	vadd.f32 v50, v6  }
0x212: {  	v63 =	vadd.s32 v2, v10;
	v31 =	vadd.f32 v52, v6;
	v32 =	vld [tilespmem:s12+$0xFFFFFFF0];
	[tilespmem:v53+s25+$0x0] =	vst.idx.msk $0xffff, v61  }
0x213: {  	v33 =	vadd.f32 v54, v5;
	v34 =	vadd.s32 v2, v8;
	[tilespmem:v55+s25+$0x0] =	vst.idx.msk $0xffff, v28;
	v35 =	vld [tilespmem:s12+$0xFFFFFF70]  }
0x214: {  	v37 =	vadd.s32 v2, v26;
	v39 =	vadd.f32 v60, v5;
	[tilespmem:v57+s25+$0x0] =	vst.idx.msk $0xffff, v31;
	v38 =	vld [tilespmem:s12+$0xFFFFFFB0]  }
0x215: {  	v41 =	vadd.s32 v2, v27;
	v36 =	vadd.f32 v56, v5;
	[tilespmem:v59+s25+$0x0] =	vst.idx.msk $0xffff, v33;
	v40 =	vld [tilespmem:s12+$0xFFFFFF30]  }
0x216: {  	v43 =	vadd.s32 v2, v30;
	v18 =	vadd.f32 v62, v5;
	v42 =	vld [tilespmem:s10+$0x0];
	[tilespmem:v29+s25+$0x0] =	vst.idx.msk $0xffff, v39  }
0x217: {  	v45 =	vadd.s32 v2, v13;
	[tilespmem:v63+s25+$0x0] =	vst.idx.msk $0xffff, v36;
	v47 =	vld [tilespmem:s10+$0xFFFFFFC0];
	v44 =	vadd.f32 v32, v5  }
0x218: {  	v46 =	vadd.s32 v3, v7;
	[tilespmem:v34+s25+$0x0] =	vst.idx.msk $0xffff, v18;
	v21 =	vld [tilespmem:s10+$0xFFFFFF80];
	v9 =	vadd.f32 v35, v5  }
0x219: {  	v18 =	vld [tilespmem:s10+$0xFFFFFF40];
	v50 =	vadd.s32 v3, v11;
	[tilespmem:v37+s25+$0x0] =	vst.idx.msk $0xffff, v44;
	v49 =	vadd.f32 v38, v5  }
0x21a: {  	v48 =	vadd.s32 v3, v10;
	v5 =	vadd.f32 v40, v5;
	v12 =	vld [tilespmem:s12+$0x0];
	[tilespmem:v41+s25+$0x0] =	vst.idx.msk $0xffff, v9  }
0x21b: {  	v52 =	vadd.s32 v3, v8;
	v51 =	vadd.f32 v42, v4;
	[tilespmem:v43+s25+$0x0] =	vst.idx.msk $0xffff, v49;
	v53 =	vld [tilespmem:s12+$0xFFFFFF80]  }
0x21c: {  	v55 =	vadd.s32 v3, v26;
	v56 =	vadd.f32 v47, v4;
	[tilespmem:v45+s25+$0x0] =	vst.idx.msk $0xffff, v5;
	v5 =	vld [tilespmem:s12+$0xFFFFFFC0]  }
0x21d: {  	v58 =	vadd.s32 v3, v27;
	[tilespmem:v46+s25+$0x0] =	vst.idx.msk $0xffff, v51;
	v54 =	vadd.f32 v21, v4;
	v57 =	vld [tilespmem:s12+$0xFFFFFF40]  }
0x21e: {  	v60 =	vadd.s32 v3, v30;
	v59 =	vadd.f32 v18, v4;
	[tilespmem:v50+s25+$0x0] =	vst.idx.msk $0xffff, v56  }
0x21f: {  	v62 =	vadd.s32 v3, v13;
	[tilespmem:v48+s25+$0x0] =	vst.idx.msk $0xffff, v54;
	v61 =	vadd.f32 v12, v4  }
0x220: {  	[tilespmem:v52+s25+$0x0] =	vst.idx.msk $0xffff, v59;
	v63 =	vadd.f32 v53, v4  }
0x221: {  	s1 =	sshll.u32 s1, $0x12;
	[tilespmem:v55+s25+$0x0] =	vst.idx.msk $0xffff, v61;
	v5 =	vadd.f32 v5, v4  }
0x222: {  	s1 =	sor.u32 s7, s1;
	v4 =	vadd.f32 v57, v4;
	[tilespmem:v58+s25+$0x0] =	vst.idx.msk $0xffff, v63  }
0x223: {  	s1 =	sshrl.u32 s1, $0x3;
	[tilespmem:v60+s25+$0x0] =	vst.idx.msk $0xffff, v5  }
0x224: {  	s8 =	simm.s32 $0x18200;
	s5 =	sadd.s32 s2, s1;
	[tilespmem:v62+s25+$0x0] =	vst.idx.msk $0xffff, v4  }
0x225: {  	[hbm4b:s5+s3] =	stream.linear.scatter [tilespmem:s8], [sflag:$0x8], $0x80, $0x38;
	[tilespmem:$0x1A600] =	vst v63  }
0x226: {  	s6 =	sadd.s32 $0x10, s5;
	s10 =	simm.s32 $0x18290  }
0x227: {  	[hbm4b:s6+s3] =	stream.linear.scatter [tilespmem:s10], [sflag:$0x8], $0x80, $0x38;
	[tilespmem:$0x1A600] =	vst v63  }
0x228: {  	s14 =	simm.s32 $0x183B0;
	s13 =	sadd.s32 $0x20, s5;
	s12 =	simm.s32 $0x18320  }
0x229: {  	[hbm4b:s13+s3] =	stream.linear.scatter [tilespmem:s12], [sflag:$0x8], $0x80, $0x38;
	[tilespmem:$0x1A600] =	vst v63  }
0x22a: {  	s1 =	simm.s32 $0x480;
	s15 =	sadd.s32 $0x30, s5;
	s8 =	simm.s32 $0x18440  }
0x22b: {  	[hbm4b:s15+s3] =	stream.linear.scatter [tilespmem:s14], [sflag:$0x8], $0x80, $0x38;
	[tilespmem:$0x1A600] =	vst v63  }
0x22c: {  	s10 =	sadd.s32 $0x40, s5;
	s12 =	simm.s32 $0x184D0;
	s13 =	sadd.s32 $0x50, s5  }
0x22d: {  	[hbm4b:s10+s3] =	stream.linear.scatter [tilespmem:s8], [sflag:$0x8], $0x80, $0x38;
	[tilespmem:$0x1A600] =	vst v63  }
0x22e: {  	s14 =	simm.s32 $0x18560;
	s15 =	sadd.s32 $0x60, s5;
	s10 =	simm.s32 $0x2400  }
0x22f: {  	[hbm4b:s13+s3] =	stream.linear.scatter [tilespmem:s12], [sflag:$0x8], $0x80, $0x38;
	[tilespmem:$0x1A600] =	vst v63  }
0x230: {  	s12 =	simm.s32 $0x185F0;
	s13 =	sadd.s32 $0x70, s5;
	s5 =	sadd.s32 $0x1000, s5  }
0x231: {  	[hbm4b:s15+s3] =	stream.linear.scatter [tilespmem:s14], [sflag:$0x8], $0x80, $0x38;
	[tilespmem:$0x1A600] =	vst v63  }
.LBB2_17:
0x232: {  	[hbm4b:s13+s3] =	stream.linear.scatter [tilespmem:s12], [sflag:$0x8], $0x80, $0x38;
	[tilespmem:$0x1A600] =	vst v63  }
0x233: {  	s6 =	smov.u32 s1;
	s1 =	smov.u32 s10  }
0x234: {  	s8 =	sadd.s32 $0x1200, s10;
	s1 =	sshra.s32 s1, $0x2;
	s12 =	sadd.s32 $0x18200, s6  }
0x235: {  	[hbm4b:s5+s3] =	stream.linear.scatter [tilespmem:s12], [sflag:$0x8], $0x80, $0x38;
	[tilespmem:$0x1A600] =	vst v63  }
0x236: {  	p1 =	sne.s32 s10, $0x7E00;
	s10 =	sadd.s32 $0x18290, s6;
	s12 =	sadd.s32 $0x10, s5  }
0x237: {  	[hbm4b:s12+s3] =	stream.linear.scatter [tilespmem:s10], [sflag:$0x8], $0x80, $0x38;
	[tilespmem:$0x1A600] =	vst v63  }
0x238: {  	s10 =	sadd.s32 $0x18320, s6;
	s12 =	sadd.s32 $0x20, s5  }
0x239: {  	[hbm4b:s12+s3] =	stream.linear.scatter [tilespmem:s10], [sflag:$0x8], $0x80, $0x38;
	[tilespmem:$0x1A600] =	vst v63  }
0x23a: {  	s10 =	sadd.s32 $0x183B0, s6;
	s12 =	sadd.s32 $0x30, s5  }
0x23b: {  	[hbm4b:s12+s3] =	stream.linear.scatter [tilespmem:s10], [sflag:$0x8], $0x80, $0x38;
	[tilespmem:$0x1A600] =	vst v63  }
0x23c: {  	s10 =	sadd.s32 $0x18440, s6;
	s12 =	sadd.s32 $0x40, s5  }
0x23d: {  	[hbm4b:s12+s3] =	stream.linear.scatter [tilespmem:s10], [sflag:$0x8], $0x80, $0x38;
	[tilespmem:$0x1A600] =	vst v63  }
.Ltmp9:
0x23e: {  	s10 =	sadd.s32 $0x184D0, s6;
	s12 =	sadd.s32 $0x50, s5;
	(pc) =	sbr.rel @p1 .LBB2_17-.Ltmp9, $4  }
0x23f: {  	[hbm4b:s12+s3] =	stream.linear.scatter [tilespmem:s10], [sflag:$0x8], $0x80, $0x38;
	[tilespmem:$0x1A600] =	vst v63  }
0x240: {  	s13 =	sadd.s32 $0x70, s5;
	s10 =	sadd.s32 $0x18560, s6;
	s12 =	sadd.s32 $0x60, s5  }
0x241: {  	[hbm4b:s12+s3] =	stream.linear.scatter [tilespmem:s10], [sflag:$0x8], $0x80, $0x38;
	[tilespmem:$0x1A600] =	vst v63  }
0x242: {  	s5 =	sadd.s32 $0x1000, s5;
	s12 =	sadd.s32 $0x185F0, s6;
	s10 =	smov.u32 s8  }
0x243: {  	[hbm4b:s13+s3] =	stream.linear.scatter [tilespmem:s12], [sflag:$0x8], $0x80, $0x38;
	[tilespmem:$0x1A600] =	vst v63  }
0x244: {  	s6 =	sadd.s32 $0x18200, s1  }
0x245: {  	[hbm4b:s5+s3] =	stream.linear.scatter [tilespmem:s6], [sflag:$0x8], $0x80, $0x38;
	[tilespmem:$0x1A600] =	vst v63  }
0x246: {  	s15 =	sadd.s32 $0x18290, s1;
	s8 =	sadd.s32 $0x10, s5  }
0x247: {  	[hbm4b:s8+s3] =	stream.linear.scatter [tilespmem:s15], [sflag:$0x8], $0x80, $0x38;
	[tilespmem:$0x1A600] =	vst v63  }
0x248: {  	s10 =	sadd.s32 $0x20, s5;
	s8 =	sadd.s32 $0x18320, s1  }
0x249: {  	[hbm4b:s10+s3] =	stream.linear.scatter [tilespmem:s8], [sflag:$0x8], $0x80, $0x38;
	[tilespmem:$0x1A600] =	vst v63  }
0x24a: {  	s12 =	sadd.s32 $0x183B0, s1;
	s13 =	sadd.s32 $0x30, s5  }
0x24b: {  	[hbm4b:s13+s3] =	stream.linear.scatter [tilespmem:s12], [sflag:$0x8], $0x80, $0x38;
	[tilespmem:$0x1A600] =	vst v63  }
0x24c: {  	s14 =	sadd.s32 $0x18440, s1;
	s15 =	sadd.s32 $0x40, s5  }
0x24d: {  	[hbm4b:s15+s3] =	stream.linear.scatter [tilespmem:s14], [sflag:$0x8], $0x80, $0x38;
	[tilespmem:$0x1A600] =	vst v63  }
0x24e: {  	s8 =	sadd.s32 $0x184D0, s1;
	s10 =	sadd.s32 $0x50, s5  }
0x24f: {  	[hbm4b:s10+s3] =	stream.linear.scatter [tilespmem:s8], [sflag:$0x8], $0x80, $0x38;
	[tilespmem:$0x1A600] =	vst v63  }
.Ltmp10:
0x250: {  	_ = 	snop;
	(pc) =	sbr.rel @p0 .LBB2_20-.Ltmp10, $4  }
0x251: {  	s12 =	sadd.s32 $0x18560, s1;
	s13 =	sadd.s32 $0x60, s5  }
0x252: {  	[hbm4b:s13+s3] =	stream.linear.scatter [tilespmem:s12], [sflag:$0x8], $0x80, $0x38;
	[tilespmem:$0x1A600] =	vst v63  }
0x253: {  	s14 =	sadd.s32 $0x185F0, s1;
	s15 =	sadd.s32 $0x70, s5  }
0x254: {  	[hbm4b:s15+s3] =	stream.linear.scatter [tilespmem:s14], [sflag:$0x8], $0x80, $0x38;
	[tilespmem:$0x1A600] =	vst v63  }
.Ltmp11:
0x255: {  	(pc) =	sbr.rel .LBB2_2-.Ltmp11, $4  }
0x256: {  	_ =	swait.ge [sflag:s29], $0x2000;
	s1 =	sshll.u32 s0, $0x9  }
0x257: {  	[sflag:s29] =	ssyncset.done $0x0;
	s1 =	sand.u32 $0x3FFFFE00, s1  }
0x258: {  	s0 =	sadd.s32 $0x1, s0;
	[sflag:s29] =	ssyncadd.s32 $0xFFFFE000;
	s1 =	sadd.s32 $0x300, s1  }
0x259: {  	[tilespmem:s16], [sflag:$0x3] =	stream.indirect.gather [hbm4b:s4+s9], $0x40, s1, s9, $0xb8;
	[tilespmem:$0x1A600] =	vst v63  }
.LBB2_21:
0x25a: {  	_ =	sfence.sel $0x180000  }
0x25b: {  	[bflag:$0x0] =	sbarrier.arrive $0xFFFF  }
0x25c: {  	_ =	strace $0x90000047  }
0x25d: {  	s0 =	stileid.u32;
	[bflag:$0x2] =	sbarrier.arrive $0xFFFF  }
0x25e: {  	p0 =	sne.s32 s0, $0x0;
	s0 =	rddreg [dreg:$0x2]  }
0x25f: {  	s0 =	sadd.s32 @!p0 $0x100000, s0  }
0x260: {  	[sflag:s0] =	ssyncadd.tile.s32 @!p0 $0x1;
	_ =	shalt  }
.Lfunc_end2:
_tile_overlayer_lowered:
.L_overlay_start_2:
0x261: {  	(tag) =	ssettag $0x2  }
0x262: {  	s0 =	rddreg [dreg:$0x0];
	s2 =	stileid.u32  }
0x263: {  	s1 =	rddreg [dreg:$0x1];
	p0 =	sne.s32 s2, $0x0  }
0x264: {  	s3 =	rddreg [dreg:$0x2];
	[bflag:$0x3] =	sbarrier.arrive $0xFFFF;
	s2 =	simm.s32 @!p0 $0x1C09  }
0x265: {  	[timem:s3], [sflag:s2] =	dma.local @!p0 [hbm:s0], s1  }
0x266: {  	s0 =	simm.s32 @!p0 $0x9  }
0x267: {  	_ =	swait.ge @!p0 [sflag:s0], s1  }
0x268: {  	s1 =	ssub.s32 @!p0 $0x0, s1;
	[sflag:s0] =	ssyncset.done @!p0 $0x0  }
0x269: {  	[sflag:s0] =	ssyncadd.s32 @!p0 s1  }
0x26a: {  	[bflag:$0x3] =	sbarrier.arrive $0xFFFF  }
0x26b: {  	_ =	shalt  }

</sc_bundles>
